<compile_context>
chip_gen: v7x
topology: tpu7x:2x2x1
jax: 0.10.2.dev20260603
libtpu: 0.0.44.dev20260713+nightly
codegen_flags: <defaults>
</compile_context>

<pallas_src>
import functools

import numpy as np
import jax
import jax.numpy as jnp
from jax import lax
from jax.experimental import pallas as pl
from jax.experimental.pallas import tpu as pltpu
from jax.experimental.pallas import tpu_sc as plsc

TOP_K = 32
NUM_RBF = 16
NUM_PE = 16
MAX_REL = 32
PE_CLASSES = 2 * MAX_REL + 2
EDGE_FEATURES = 128
ROW = 32

_PREC = lax.Precision.HIGHEST


def _build_consts():
    sq = np.zeros((15, 75), np.float32)
    sn = np.zeros((15, 75), np.float32)
    g = np.zeros((75, 25), np.float32)
    rep = np.zeros((25, 400), np.float32)
    for a in range(5):
        for b in range(5):
            p = a * 5 + b
            for c in range(3):
                sq[3 * a + c, 3 * p + c] = 1.0
                sn[3 * b + c, 3 * p + c] = 1.0
                g[3 * p + c, p] = 1.0
            for m in range(NUM_RBF):
                rep[p, NUM_RBF * p + m] = 1.0
    mu = np.linspace(2.0, 22.0, NUM_RBF).astype(np.float32)
    mu_row = np.tile(mu, 25)[None, :]
    return sq, sn, g, rep, mu_row


_SQ, _SN, _G, _REP, _MU = _build_consts()
_INV_SIGMA = float(NUM_RBF) / 20.0


def _split(x):
    hi = x.astype(jnp.bfloat16)
    lo = (x - hi.astype(jnp.float32)).astype(jnp.bfloat16)
    return hi, lo


def _dot_01(x, w):
    hi, lo = _split(x)
    wb = w.astype(jnp.bfloat16)
    return (jnp.dot(hi, wb, preferred_element_type=jnp.float32)
            + jnp.dot(lo, wb, preferred_element_type=jnp.float32))


def _dot_data(x, w):
    xh, xl = _split(x)
    wh, wl = _split(w)
    return (jnp.dot(xh, wh, preferred_element_type=jnp.float32)
            + jnp.dot(xl, wh, preferred_element_type=jnp.float32)
            + jnp.dot(xh, wl, preferred_element_type=jnp.float32))


def _knn_kernel(xq_ref, cat_ref, mcol_ref, mrow_ref, resi_ref, chain_ref,
                atoms_ref, eidx_ref, nidx_ref):
    x = xq_ref[0]
    nx, ny, nz = x[:, 0:1], x[:, 1:2], x[:, 2:3]
    cax, cay, caz = x[:, 3:4], x[:, 4:5], x[:, 5:6]
    cx, cy, cz = x[:, 6:7], x[:, 7:8], x[:, 8:9]
    ox, oy, oz = x[:, 9:10], x[:, 10:11], x[:, 11:12]
    bx, by, bz = cax - nx, cay - ny, caz - nz
    ccx, ccy, ccz = cx - cax, cy - cay, cz - caz
    ax = by * ccz - bz * ccy
    ay = bz * ccx - bx * ccz
    az = bx * ccy - by * ccx
    w1, w2, w3 = -0.58273431, 0.56802827, -0.54067466
    cbx = w1 * ax + w2 * bx + w3 * ccx + cax
    cby = w1 * ay + w2 * by + w3 * ccy + cay
    cbz = w1 * az + w2 * bz + w3 * ccz + caz
    resf = resi_ref[0].astype(jnp.float32)
    chnf = chain_ref[0].astype(jnp.float32)
    pad = jnp.zeros((x.shape[0], ROW - 17), jnp.float32)
    atoms_ref[0] = jnp.concatenate(
        [nx, ny, nz, cax, cay, caz, cx, cy, cz, ox, oy, oz,
         cbx, cby, cbz, resf, chnf, pad], axis=1)

    cat = cat_ref[0]
    dx = cax - cat[0:1, :]
    dy = cay - cat[1:2, :]
    dz = caz - cat[2:3, :]
    m2 = mcol_ref[0] * mrow_ref[0]
    dist = m2 * jnp.sqrt(dx * dx + dy * dy + dz * dz + 1e-6)
    dmax = jnp.max(dist, axis=1, keepdims=True)
    work = dist + (1.0 - m2) * dmax
    iota = lax.broadcasted_iota(jnp.int32, work.shape, 1)
    big = jnp.int32(2 ** 30)
    cols = []
    for _ in range(TOP_K):
        mval = jnp.min(work, axis=1, keepdims=True)
        hit = work == mval
        sel = jnp.min(jnp.where(hit, iota, big), axis=1, keepdims=True)
        cols.append(sel)
        work = jnp.where(iota == sel, jnp.float32(jnp.inf), work)
    eidx = jnp.concatenate(cols, axis=1)
    eidx_ref[0] = eidx
    nidx_ref[0] = eidx + pl.program_id(0) * cat.shape[1]


def _feat_kernel(ng_ref, table_ref, pew_ref, peb_ref, edgew_ref,
                 gamma_ref, beta_ref, sq_ref, sn_ref, g_ref, rep_ref, mu_ref,
                 out_ref):
    rb = ng_ref.shape[1]
    qpb = rb // TOP_K
    nb = pl.program_id(1)
    ng = ng_ref[0]

    qtab = table_ref[0, pl.ds(nb * qpb, qpb), :]
    sub = lax.broadcasted_iota(jnp.int32, (rb, qpb), 0) // TOP_K
    lane_q = lax.broadcasted_iota(jnp.int32, (rb, qpb), 1)
    ohq = (sub == lane_q).astype(jnp.bfloat16)
    qh, ql = _split(qtab)
    q17 = (jnp.dot(ohq, qh, preferred_element_type=jnp.float32)
           + jnp.dot(ohq, ql, preferred_element_type=jnp.float32))

    q15, n15 = q17[:, 0:15], ng[:, 0:15]
    qre = jnp.round(q17[:, 15:16])
    nre = ng[:, 15:16]
    qch = jnp.round(q17[:, 16:17])
    nch = ng[:, 16:17]

    qrep = _dot_01(q15, sq_ref[...])
    nrep = _dot_01(n15, sn_ref[...])
    df = qrep - nrep
    s2 = _dot_01(df * df, g_ref[...])
    d = jnp.sqrt(s2 + 1e-6)
    drep = _dot_01(d, rep_ref[...])
    z = (drep - mu_ref[...]) * _INV_SIGMA
    rbf = jnp.exp(-(z * z))

    e_same = (jnp.abs(qch - nch) < 0.5).astype(jnp.float32)
    off = qre - nre
    dval = (jnp.clip(off + MAX_REL, 0.0, 2.0 * MAX_REL) * e_same
            + (1.0 - e_same) * (2.0 * MAX_REL + 1.0))
    lane_pe = lax.broadcasted_iota(jnp.int32, (rb, PE_CLASSES), 1)
    ohpe = (lane_pe.astype(jnp.float32) == dval).astype(jnp.bfloat16)
    pwh, pwl = _split(pew_ref[...])
    pe = (jnp.dot(ohpe, pwh, preferred_element_type=jnp.float32)
          + jnp.dot(ohpe, pwl, preferred_element_type=jnp.float32))
    pe = pe + peb_ref[...]

    w = edgew_ref[...]
    e = _dot_data(pe, w[0:NUM_PE, :]) + _dot_data(rbf, w[NUM_PE:, :])
    mu_ln = jnp.mean(e, axis=1, keepdims=True)
    ce = e - mu_ln
    var = jnp.mean(ce * ce, axis=1, keepdims=True)
    out_ref[0] = (ce / jnp.sqrt(var + 1e-5)) * gamma_ref[...] + beta_ref[...]


def _sc_gather(table, nflat):
    total = nflat.shape[0]
    info = plsc.get_sparse_core_info()
    nc, ns = info.num_cores, info.num_subcores
    nw = nc * ns
    bpw = total // nw
    chunk = 128
    nchunks = bpw // chunk
    mesh = plsc.VectorSubcoreMesh(core_axis_name="c", subcore_axis_name="s")

    @functools.partial(
        pl.kernel,
        mesh=mesh,
        compiler_params=pltpu.CompilerParams(use_tc_tiling_on_sc=False),
        out_type=jax.ShapeDtypeStruct((total, ROW), jnp.float32),
        scratch_types=[
            pltpu.VMEM((bpw,), jnp.int32),
            pltpu.VMEM((bpw, ROW), jnp.float32),
            pltpu.SemaphoreType.DMA,
        ],
    )
    def gath(table_hbm, idx_hbm, out_hbm, idx_v, rows_v, sem):
        wid = lax.axis_index("s") * nc + lax.axis_index("c")
        base = wid * bpw
        pltpu.sync_copy(idx_hbm.at[pl.ds(base, bpw)], idx_v)
        descs = []
        for j in range(nchunks):
            descs.append(pltpu.async_copy(
                table_hbm.at[idx_v.at[pl.ds(j * chunk, chunk)]],
                rows_v.at[pl.ds(j * chunk, chunk), :], sem))
        for dsc in descs:
            dsc.wait()
        pltpu.sync_copy(rows_v, out_hbm.at[pl.ds(base, bpw)])

    return gath(table, nflat)


def kernel(X, mask, residue_idx, chain_labels, pe_W, pe_b, edge_W,
           ln_gamma, ln_beta):
    B, L = X.shape[0], X.shape[1]
    K = TOP_K
    x12 = X.reshape(B, L, 12)
    cat = jnp.transpose(X[:, :, 1, :], (0, 2, 1))
    mcol = mask.reshape(B, L, 1)
    mrow = mask.reshape(B, 1, L)
    resi = residue_idx.reshape(B, L, 1)
    chn = chain_labels.reshape(B, L, 1)

    RQ = 256
    atoms, e_idx, nidx = pl.pallas_call(
        _knn_kernel,
        grid=(B, L // RQ),
        in_specs=[
            pl.BlockSpec((1, RQ, 12), lambda b, r: (b, r, 0)),
            pl.BlockSpec((1, 3, L), lambda b, r: (b, 0, 0)),
            pl.BlockSpec((1, RQ, 1), lambda b, r: (b, r, 0)),
            pl.BlockSpec((1, 1, L), lambda b, r: (b, 0, 0)),
            pl.BlockSpec((1, RQ, 1), lambda b, r: (b, r, 0)),
            pl.BlockSpec((1, RQ, 1), lambda b, r: (b, r, 0)),
        ],
        out_specs=[
            pl.BlockSpec((1, RQ, ROW), lambda b, r: (b, r, 0)),
            pl.BlockSpec((1, RQ, K), lambda b, r: (b, r, 0)),
            pl.BlockSpec((1, RQ, K), lambda b, r: (b, r, 0)),
        ],
        out_shape=[
            jax.ShapeDtypeStruct((B, L, ROW), jnp.float32),
            jax.ShapeDtypeStruct((B, L, K), jnp.int32),
            jax.ShapeDtypeStruct((B, L, K), jnp.int32),
        ],
    )(x12, cat, mcol, mrow, resi, chn)

    ngath = _sc_gather(atoms.reshape(B * L, ROW), nidx.reshape(B * L * K))
    ng = ngath.reshape(B, L * K, ROW)

    RB = 1024
    E = pl.pallas_call(
        _feat_kernel,
        grid=(B, (L * K) // RB),
        in_specs=[
            pl.BlockSpec((1, RB, ROW), lambda b, r: (b, r, 0)),
            pl.BlockSpec((1, L, ROW), lambda b, r: (b, 0, 0)),
            pl.BlockSpec((PE_CLASSES, NUM_PE), lambda b, r: (0, 0)),
            pl.BlockSpec((1, NUM_PE), lambda b, r: (0, 0)),
            pl.BlockSpec((NUM_PE + 400, EDGE_FEATURES), lambda b, r: (0, 0)),
            pl.BlockSpec((1, EDGE_FEATURES), lambda b, r: (0, 0)),
            pl.BlockSpec((1, EDGE_FEATURES), lambda b, r: (0, 0)),
            pl.BlockSpec((15, 75), lambda b, r: (0, 0)),
            pl.BlockSpec((15, 75), lambda b, r: (0, 0)),
            pl.BlockSpec((75, 25), lambda b, r: (0, 0)),
            pl.BlockSpec((25, 400), lambda b, r: (0, 0)),
            pl.BlockSpec((1, 400), lambda b, r: (0, 0)),
        ],
        out_specs=pl.BlockSpec((1, RB, EDGE_FEATURES), lambda b, r: (b, r, 0)),
        out_shape=jax.ShapeDtypeStruct((B, L * K, EDGE_FEATURES), jnp.float32),
    )(ng, atoms, pe_W, pe_b.reshape(1, NUM_PE), edge_W,
      ln_gamma.reshape(1, EDGE_FEATURES), ln_beta.reshape(1, EDGE_FEATURES),
      jnp.asarray(_SQ), jnp.asarray(_SN), jnp.asarray(_G), jnp.asarray(_REP),
      jnp.asarray(_MU))
    return E.reshape(B, L, K, EDGE_FEATURES), e_idx

# --- scband reference (transcript-rebuilt; emitter-appended) ---
"""Pipeline reference for scband-protein-features-12094627906364 (READ-ONLY COPY).

The authoritative reference and input builder live on the scoring server;
editing this copy changes nothing except your own understanding.
"""

import jax, jax.numpy as jnp
import numpy as np

TOP_K = 32
NUM_RBF = 16
NUM_PE = 16
MAX_REL = 32
EDGE_FEATURES = 128
NUM_ATOMS = 5
EDGE_IN = NUM_PE + NUM_RBF * NUM_ATOMS ** 2  # 16 + 16*25 = 416


def _rbf(D):
    D_min, D_max, D_count = 2.0, 22.0, NUM_RBF
    D_mu = jnp.linspace(D_min, D_max, D_count).reshape(1, 1, 1, -1)
    D_sigma = (D_max - D_min) / D_count
    D_expand = D[..., None]
    return jnp.exp(-((D_expand - D_mu) / D_sigma) ** 2)


def setup_inputs(seed: int = 0) -> dict:
    key = jax.random.key(seed)
    ks = jax.random.split(key, 6)
    B, L = 2, 1024
    X = jax.random.normal(ks[0], (B, L, 4, 3), dtype=jnp.float32)
    mask = jnp.ones((B, L), dtype=jnp.float32)
    residue_idx = jnp.arange(B * L, dtype=jnp.int32).reshape(B, L)
    chain_labels = jax.random.randint(ks[1], (B, L), 0, 4, dtype=jnp.int32)
    # learned params
    pe_W = jax.random.normal(ks[2], (2 * MAX_REL + 2, NUM_PE), dtype=jnp.float32) * 0.1
    pe_b = jnp.zeros((NUM_PE,), dtype=jnp.float32)
    edge_W = jax.random.normal(ks[3], (EDGE_IN, EDGE_FEATURES), dtype=jnp.float32) * 0.05
    ln_gamma = jnp.ones((EDGE_FEATURES,), dtype=jnp.float32)
    ln_beta = jnp.zeros((EDGE_FEATURES,), dtype=jnp.float32)
    return {"X": X, "mask": mask, "residue_idx": residue_idx, "chain_labels": chain_labels,
            "pe_W": pe_W, "pe_b": pe_b, "edge_W": edge_W, "ln_gamma": ln_gamma, "ln_beta": ln_beta}


def reference(X, mask, residue_idx, chain_labels, pe_W, pe_b, edge_W, ln_gamma, ln_beta):
    # derived atoms
    b = X[:, :, 1, :] - X[:, :, 0, :]
    c = X[:, :, 2, :] - X[:, :, 1, :]
    a = jnp.cross(b, c)
    Cb = -0.58273431 * a + 0.56802827 * b - 0.54067466 * c + X[:, :, 1, :]
    Ca = X[:, :, 1, :]
    N_ = X[:, :, 0, :]
    C_ = X[:, :, 2, :]
    O_ = X[:, :, 3, :]
    atoms = [N_, Ca, C_, O_, Cb]
    # _dist on Ca
    mask2 = mask[:, None, :] * mask[:, :, None]
    dX = Ca[:, None, :, :] - Ca[:, :, None, :]
    D = mask2 * jnp.sqrt(jnp.sum(dX ** 2, axis=-1) + 1e-06)
    D_max = jnp.max(D, axis=-1, keepdims=True)
    D_adjust = D + (1.0 - mask2) * D_max
    k = min(TOP_K, X.shape[1])
    neg_vals, E_idx = jax.lax.top_k(-D_adjust, k)
    # pairwise RBF over all 25 atom pairs
    RBF_all = []
    for A in atoms:
        for Bm in atoms:
            D_AB = jnp.sqrt(jnp.sum((A[:, :, None, :] - Bm[:, None, :, :]) ** 2, axis=-1) + 1e-06)
            D_nb = jnp.take_along_axis(D_AB, E_idx, axis=2)
            RBF_all.append(_rbf(D_nb))
    RBF_all = jnp.concatenate(RBF_all, axis=-1)
    # positional encodings
    offset = residue_idx[:, :, None] - residue_idx[:, None, :]
    offset = jnp.take_along_axis(offset, E_idx, axis=2)
    d_chains = (chain_labels[:, :, None] - chain_labels[:, None, :] == 0).astype(jnp.int32)
    E_chains = jnp.take_along_axis(d_chains, E_idx, axis=2)
    d = jnp.clip(offset + MAX_REL, 0, 2 * MAX_REL) * E_chains + (1 - E_chains) * (2 * MAX_REL + 1)
    d_onehot = jax.nn.one_hot(d, 2 * MAX_REL + 2, dtype=jnp.float32)
    E_positional = d_onehot @ pe_W + pe_b
    E = jnp.concatenate([E_positional, RBF_all], axis=-1)
    E = E @ edge_W
    mu = jnp.mean(E, axis=-1, keepdims=True)
    var = jnp.var(E, axis=-1, keepdims=True)
    E = (E - mu) / jnp.sqrt(var + 1e-05) * ln_gamma + ln_beta
    return (E, E_idx)

if __name__ == "__main__":
    import jax
    _d = setup_inputs()
    print(jax.jit(kernel)(*tuple(_d.values())))

</pallas_src>

<mosaic_0001>
#map = affine_map<(d0, d1) -> (0, 0)>
#map1 = affine_map<(d0, d1) -> (0)>
module attributes {stable_mosaic.version = 14 : i64} {
  func.func @gath(%arg0: i32, %arg1: i32, %arg2: memref<2048x32xf32, #tpu.memory_space<hbm>>, %arg3: memref<65536xi32, #tpu.memory_space<hbm>>, %arg4: memref<65536x32xf32, #tpu.memory_space<hbm>>, %arg5: memref<2048xi32, #tpu.memory_space<vmem>>, %arg6: memref<2048x32xf32, #tpu.memory_space<vmem>>, %arg7: memref<!tpu.dma_semaphore, #tpu.memory_space<semaphore_mem>>) attributes {dimension_semantics = [#tpu.dimension_semantics<core_parallel>, #tpu.dimension_semantics<subcore_parallel>], iteration_bounds = array<i64: 2, 16>, scalar_prefetch = 0 : i64, scratch_operands = 3 : i64, tpu.core_type = #tpu.core_type<sc_vector_subcore>, window_params = [{transform_indices = #map}, {transform_indices = #map1}, {transform_indices = #map}]} {
    %mul3A = arith.constant 2 : i32
    %mul3A_0 = arith.muli %arg1, %mul3A : i32
    %add3A = arith.addi %mul3A_0, %arg0 : i32
    %mul3A_1 = arith.constant 2048 : i32
    %mul3A_2 = arith.muli %add3A, %mul3A_1 : i32
    "tpu.region"() ({
      %run_scoped3A = tpu.sem_alloc : memref<!tpu.dma_semaphore, #tpu.memory_space<semaphore_mem>>
      %dma_start3A_257 = tpu.memref_slice %arg3[%mul3A_2] : memref<65536xi32, #tpu.memory_space<hbm>> -> memref<2048xi32, #tpu.memory_space<hbm>>
      %dma_start3A_258 = tpu.memref_slice %arg3[%mul3A_2] : memref<65536xi32, #tpu.memory_space<hbm>> -> memref<2048xi32, #tpu.memory_space<hbm>>
      tpu.enqueue_dma source(%dma_start3A_258 : memref<2048xi32, #tpu.memory_space<hbm>>) target(%arg5 : memref<2048xi32, #tpu.memory_space<vmem>>) target_semaphore(%run_scoped3A : memref<!tpu.dma_semaphore, #tpu.memory_space<semaphore_mem>>)
      %dma_wait3A_259 = tpu.memref_slice %arg3[%mul3A_2] : memref<65536xi32, #tpu.memory_space<hbm>> -> memref<2048xi32, #tpu.memory_space<hbm>>
      %dma_wait3A_260 = tpu.memref_slice %arg3[%mul3A_2] : memref<65536xi32, #tpu.memory_space<hbm>> -> memref<2048xi32, #tpu.memory_space<hbm>>
      tpu.wait_dma2 semaphore(%run_scoped3A : memref<!tpu.dma_semaphore, #tpu.memory_space<semaphore_mem>>) src(%dma_wait3A_260 : memref<2048xi32, #tpu.memory_space<hbm>>) dst(%arg5 : memref<2048xi32, #tpu.memory_space<vmem>>)
      tpu.yield
    }) : () -> ()
    %dma_start3A = arith.constant 0 : i32
    %dma_start3A_3 = arith.constant 0 : i32
    %dma_start3A_4 = tpu.memref_slice %arg6[%dma_start3A, %dma_start3A_3] : memref<2048x32xf32, #tpu.memory_space<vmem>> -> memref<128x32xf32, #tpu.memory_space<vmem>>
    %dma_start3A_5 = arith.constant 0 : i32
    %dma_start3A_6 = tpu.memref_slice %arg5[%dma_start3A_5] : memref<2048xi32, #tpu.memory_space<vmem>> -> memref<128xi32, #tpu.memory_space<vmem>>
    %dma_start3A_7 = arith.constant 0 : i32
    %dma_start3A_8 = arith.constant 0 : i32
    %dma_start3A_9 = tpu.memref_slice %arg2[%dma_start3A_7, %dma_start3A_8] : memref<2048x32xf32, #tpu.memory_space<hbm>> -> memref<2048x32xf32, #tpu.memory_space<hbm>>
    tpu.enqueue_indirect_dma source(%dma_start3A_9 : memref<2048x32xf32, #tpu.memory_space<hbm>>) target(%dma_start3A_4 : memref<128x32xf32, #tpu.memory_space<vmem>>) offsets(%dma_start3A_6 : memref<128xi32, #tpu.memory_space<vmem>>) semaphore(%arg7 : memref<!tpu.dma_semaphore, #tpu.memory_space<semaphore_mem>>)
    %dma_start3A_10 = arith.constant 128 : i32
    %dma_start3A_11 = arith.constant 0 : i32
    %dma_start3A_12 = tpu.memref_slice %arg6[%dma_start3A_10, %dma_start3A_11] : memref<2048x32xf32, #tpu.memory_space<vmem>> -> memref<128x32xf32, #tpu.memory_space<vmem>>
    %dma_start3A_13 = arith.constant 128 : i32
    %dma_start3A_14 = tpu.memref_slice %arg5[%dma_start3A_13] : memref<2048xi32, #tpu.memory_space<vmem>> -> memref<128xi32, #tpu.memory_space<vmem>>
    %dma_start3A_15 = arith.constant 0 : i32
    %dma_start3A_16 = arith.constant 0 : i32
    %dma_start3A_17 = tpu.memref_slice %arg2[%dma_start3A_15, %dma_start3A_16] : memref<2048x32xf32, #tpu.memory_space<hbm>> -> memref<2048x32xf32, #tpu.memory_space<hbm>>
    tpu.enqueue_indirect_dma source(%dma_start3A_17 : memref<2048x32xf32, #tpu.memory_space<hbm>>) target(%dma_start3A_12 : memref<128x32xf32, #tpu.memory_space<vmem>>) offsets(%dma_start3A_14 : memref<128xi32, #tpu.memory_space<vmem>>) semaphore(%arg7 : memref<!tpu.dma_semaphore, #tpu.memory_space<semaphore_mem>>)
    %dma_start3A_18 = arith.constant 256 : i32
    %dma_start3A_19 = arith.constant 0 : i32
    %dma_start3A_20 = tpu.memref_slice %arg6[%dma_start3A_18, %dma_start3A_19] : memref<2048x32xf32, #tpu.memory_space<vmem>> -> memref<128x32xf32, #tpu.memory_space<vmem>>
    %dma_start3A_21 = arith.constant 256 : i32
    %dma_start3A_22 = tpu.memref_slice %arg5[%dma_start3A_21] : memref<2048xi32, #tpu.memory_space<vmem>> -> memref<128xi32, #tpu.memory_space<vmem>>
    %dma_start3A_23 = arith.constant 0 : i32
    %dma_start3A_24 = arith.constant 0 : i32
    %dma_start3A_25 = tpu.memref_slice %arg2[%dma_start3A_23, %dma_start3A_24] : memref<2048x32xf32, #tpu.memory_space<hbm>> -> memref<2048x32xf32, #tpu.memory_space<hbm>>
    tpu.enqueue_indirect_dma source(%dma_start3A_25 : memref<2048x32xf32, #tpu.memory_space<hbm>>) target(%dma_start3A_20 : memref<128x32xf32, #tpu.memory_space<vmem>>) offsets(%dma_start3A_22 : memref<128xi32, #tpu.memory_space<vmem>>) semaphore(%arg7 : memref<!tpu.dma_semaphore, #tpu.memory_space<semaphore_mem>>)
    %dma_start3A_26 = arith.constant 384 : i32
    %dma_start3A_27 = arith.constant 0 : i32
    %dma_start3A_28 = tpu.memref_slice %arg6[%dma_start3A_26, %dma_start3A_27] : memref<2048x32xf32, #tpu.memory_space<vmem>> -> memref<128x32xf32, #tpu.memory_space<vmem>>
    %dma_start3A_29 = arith.constant 384 : i32
    %dma_start3A_30 = tpu.memref_slice %arg5[%dma_start3A_29] : memref<2048xi32, #tpu.memory_space<vmem>> -> memref<128xi32, #tpu.memory_space<vmem>>
    %dma_start3A_31 = arith.constant 0 : i32
    %dma_start3A_32 = arith.constant 0 : i32
    %dma_start3A_33 = tpu.memref_slice %arg2[%dma_start3A_31, %dma_start3A_32] : memref<2048x32xf32, #tpu.memory_space<hbm>> -> memref<2048x32xf32, #tpu.memory_space<hbm>>
    tpu.enqueue_indirect_dma source(%dma_start3A_33 : memref<2048x32xf32, #tpu.memory_space<hbm>>) target(%dma_start3A_28 : memref<128x32xf32, #tpu.memory_space<vmem>>) offsets(%dma_start3A_30 : memref<128xi32, #tpu.memory_space<vmem>>) semaphore(%arg7 : memref<!tpu.dma_semaphore, #tpu.memory_space<semaphore_mem>>)
    %dma_start3A_34 = arith.constant 512 : i32
    %dma_start3A_35 = arith.constant 0 : i32
    %dma_start3A_36 = tpu.memref_slice %arg6[%dma_start3A_34, %dma_start3A_35] : memref<2048x32xf32, #tpu.memory_space<vmem>> -> memref<128x32xf32, #tpu.memory_space<vmem>>
    %dma_start3A_37 = arith.constant 512 : i32
    %dma_start3A_38 = tpu.memref_slice %arg5[%dma_start3A_37] : memref<2048xi32, #tpu.memory_space<vmem>> -> memref<128xi32, #tpu.memory_space<vmem>>
    %dma_start3A_39 = arith.constant 0 : i32
    %dma_start3A_40 = arith.constant 0 : i32
    %dma_start3A_41 = tpu.memref_slice %arg2[%dma_start3A_39, %dma_start3A_40] : memref<2048x32xf32, #tpu.memory_space<hbm>> -> memref<2048x32xf32, #tpu.memory_space<hbm>>
    tpu.enqueue_indirect_dma source(%dma_start3A_41 : memref<2048x32xf32, #tpu.memory_space<hbm>>) target(%dma_start3A_36 : memref<128x32xf32, #tpu.memory_space<vmem>>) offsets(%dma_start3A_38 : memref<128xi32, #tpu.memory_space<vmem>>) semaphore(%arg7 : memref<!tpu.dma_semaphore, #tpu.memory_space<semaphore_mem>>)
    %dma_start3A_42 = arith.constant 640 : i32
    %dma_start3A_43 = arith.constant 0 : i32
    %dma_start3A_44 = tpu.memref_slice %arg6[%dma_start3A_42, %dma_start3A_43] : memref<2048x32xf32, #tpu.memory_space<vmem>> -> memref<128x32xf32, #tpu.memory_space<vmem>>
    %dma_start3A_45 = arith.constant 640 : i32
    %dma_start3A_46 = tpu.memref_slice %arg5[%dma_start3A_45] : memref<2048xi32, #tpu.memory_space<vmem>> -> memref<128xi32, #tpu.memory_space<vmem>>
    %dma_start3A_47 = arith.constant 0 : i32
    %dma_start3A_48 = arith.constant 0 : i32
    %dma_start3A_49 = tpu.memref_slice %arg2[%dma_start3A_47, %dma_start3A_48] : memref<2048x32xf32, #tpu.memory_space<hbm>> -> memref<2048x32xf32, #tpu.memory_space<hbm>>
    tpu.enqueue_indirect_dma source(%dma_start3A_49 : memref<2048x32xf32, #tpu.memory_space<hbm>>) target(%dma_start3A_44 : memref<128x32xf32, #tpu.memory_space<vmem>>) offsets(%dma_start3A_46 : memref<128xi32, #tpu.memory_space<vmem>>) semaphore(%arg7 : memref<!tpu.dma_semaphore, #tpu.memory_space<semaphore_mem>>)
    %dma_start3A_50 = arith.constant 768 : i32
    %dma_start3A_51 = arith.constant 0 : i32
    %dma_start3A_52 = tpu.memref_slice %arg6[%dma_start3A_50, %dma_start3A_51] : memref<2048x32xf32, #tpu.memory_space<vmem>> -> memref<128x32xf32, #tpu.memory_space<vmem>>
    %dma_start3A_53 = arith.constant 768 : i32
    %dma_start3A_54 = tpu.memref_slice %arg5[%dma_start3A_53] : memref<2048xi32, #tpu.memory_space<vmem>> -> memref<128xi32, #tpu.memory_space<vmem>>
    %dma_start3A_55 = arith.constant 0 : i32
    %dma_start3A_56 = arith.constant 0 : i32
    %dma_start3A_57 = tpu.memref_slice %arg2[%dma_start3A_55, %dma_start3A_56] : memref<2048x32xf32, #tpu.memory_space<hbm>> -> memref<2048x32xf32, #tpu.memory_space<hbm>>
    tpu.enqueue_indirect_dma source(%dma_start3A_57 : memref<2048x32xf32, #tpu.memory_space<hbm>>) target(%dma_start3A_52 : memref<128x32xf32, #tpu.memory_space<vmem>>) offsets(%dma_start3A_54 : memref<128xi32, #tpu.memory_space<vmem>>) semaphore(%arg7 : memref<!tpu.dma_semaphore, #tpu.memory_space<semaphore_mem>>)
    %dma_start3A_58 = arith.constant 896 : i32
    %dma_start3A_59 = arith.constant 0 : i32
    %dma_start3A_60 = tpu.memref_slice %arg6[%dma_start3A_58, %dma_start3A_59] : memref<2048x32xf32, #tpu.memory_space<vmem>> -> memref<128x32xf32, #tpu.memory_space<vmem>>
    %dma_start3A_61 = arith.constant 896 : i32
    %dma_start3A_62 = tpu.memref_slice %arg5[%dma_start3A_61] : memref<2048xi32, #tpu.memory_space<vmem>> -> memref<128xi32, #tpu.memory_space<vmem>>
    %dma_start3A_63 = arith.constant 0 : i32
    %dma_start3A_64 = arith.constant 0 : i32
    %dma_start3A_65 = tpu.memref_slice %arg2[%dma_start3A_63, %dma_start3A_64] : memref<2048x32xf32, #tpu.memory_space<hbm>> -> memref<2048x32xf32, #tpu.memory_space<hbm>>
    tpu.enqueue_indirect_dma source(%dma_start3A_65 : memref<2048x32xf32, #tpu.memory_space<hbm>>) target(%dma_start3A_60 : memref<128x32xf32, #tpu.memory_space<vmem>>) offsets(%dma_start3A_62 : memref<128xi32, #tpu.memory_space<vmem>>) semaphore(%arg7 : memref<!tpu.dma_semaphore, #tpu.memory_space<semaphore_mem>>)
    %dma_start3A_66 = arith.constant 1024 : i32
    %dma_start3A_67 = arith.constant 0 : i32
    %dma_start3A_68 = tpu.memref_slice %arg6[%dma_start3A_66, %dma_start3A_67] : memref<2048x32xf32, #tpu.memory_space<vmem>> -> memref<128x32xf32, #tpu.memory_space<vmem>>
    %dma_start3A_69 = arith.constant 1024 : i32
    %dma_start3A_70 = tpu.memref_slice %arg5[%dma_start3A_69] : memref<2048xi32, #tpu.memory_space<vmem>> -> memref<128xi32, #tpu.memory_space<vmem>>
    %dma_start3A_71 = arith.constant 0 : i32
    %dma_start3A_72 = arith.constant 0 : i32
    %dma_start3A_73 = tpu.memref_slice %arg2[%dma_start3A_71, %dma_start3A_72] : memref<2048x32xf32, #tpu.memory_space<hbm>> -> memref<2048x32xf32, #tpu.memory_space<hbm>>
    tpu.enqueue_indirect_dma source(%dma_start3A_73 : memref<2048x32xf32, #tpu.memory_space<hbm>>) target(%dma_start3A_68 : memref<128x32xf32, #tpu.memory_space<vmem>>) offsets(%dma_start3A_70 : memref<128xi32, #tpu.memory_space<vmem>>) semaphore(%arg7 : memref<!tpu.dma_semaphore, #tpu.memory_space<semaphore_mem>>)
    %dma_start3A_74 = arith.constant 1152 : i32
    %dma_start3A_75 = arith.constant 0 : i32
    %dma_start3A_76 = tpu.memref_slice %arg6[%dma_start3A_74, %dma_start3A_75] : memref<2048x32xf32, #tpu.memory_space<vmem>> -> memref<128x32xf32, #tpu.memory_space<vmem>>
    %dma_start3A_77 = arith.constant 1152 : i32
    %dma_start3A_78 = tpu.memref_slice %arg5[%dma_start3A_77] : memref<2048xi32, #tpu.memory_space<vmem>> -> memref<128xi32, #tpu.memory_space<vmem>>
    %dma_start3A_79 = arith.constant 0 : i32
    %dma_start3A_80 = arith.constant 0 : i32
    %dma_start3A_81 = tpu.memref_slice %arg2[%dma_start3A_79, %dma_start3A_80] : memref<2048x32xf32, #tpu.memory_space<hbm>> -> memref<2048x32xf32, #tpu.memory_space<hbm>>
    tpu.enqueue_indirect_dma source(%dma_start3A_81 : memref<2048x32xf32, #tpu.memory_space<hbm>>) target(%dma_start3A_76 : memref<128x32xf32, #tpu.memory_space<vmem>>) offsets(%dma_start3A_78 : memref<128xi32, #tpu.memory_space<vmem>>) semaphore(%arg7 : memref<!tpu.dma_semaphore, #tpu.memory_space<semaphore_mem>>)
    %dma_start3A_82 = arith.constant 1280 : i32
    %dma_start3A_83 = arith.constant 0 : i32
    %dma_start3A_84 = tpu.memref_slice %arg6[%dma_start3A_82, %dma_start3A_83] : memref<2048x32xf32, #tpu.memory_space<vmem>> -> memref<128x32xf32, #tpu.memory_space<vmem>>
    %dma_start3A_85 = arith.constant 1280 : i32
    %dma_start3A_86 = tpu.memref_slice %arg5[%dma_start3A_85] : memref<2048xi32, #tpu.memory_space<vmem>> -> memref<128xi32, #tpu.memory_space<vmem>>
    %dma_start3A_87 = arith.constant 0 : i32
    %dma_start3A_88 = arith.constant 0 : i32
    %dma_start3A_89 = tpu.memref_slice %arg2[%dma_start3A_87, %dma_start3A_88] : memref<2048x32xf32, #tpu.memory_space<hbm>> -> memref<2048x32xf32, #tpu.memory_space<hbm>>
    tpu.enqueue_indirect_dma source(%dma_start3A_89 : memref<2048x32xf32, #tpu.memory_space<hbm>>) target(%dma_start3A_84 : memref<128x32xf32, #tpu.memory_space<vmem>>) offsets(%dma_start3A_86 : memref<128xi32, #tpu.memory_space<vmem>>) semaphore(%arg7 : memref<!tpu.dma_semaphore, #tpu.memory_space<semaphore_mem>>)
    %dma_start3A_90 = arith.constant 1408 : i32
    %dma_start3A_91 = arith.constant 0 : i32
    %dma_start3A_92 = tpu.memref_slice %arg6[%dma_start3A_90, %dma_start3A_91] : memref<2048x32xf32, #tpu.memory_space<vmem>> -> memref<128x32xf32, #tpu.memory_space<vmem>>
    %dma_start3A_93 = arith.constant 1408 : i32
    %dma_start3A_94 = tpu.memref_slice %arg5[%dma_start3A_93] : memref<2048xi32, #tpu.memory_space<vmem>> -> memref<128xi32, #tpu.memory_space<vmem>>
    %dma_start3A_95 = arith.constant 0 : i32
    %dma_start3A_96 = arith.constant 0 : i32
    %dma_start3A_97 = tpu.memref_slice %arg2[%dma_start3A_95, %dma_start3A_96] : memref<2048x32xf32, #tpu.memory_space<hbm>> -> memref<2048x32xf32, #tpu.memory_space<hbm>>
    tpu.enqueue_indirect_dma source(%dma_start3A_97 : memref<2048x32xf32, #tpu.memory_space<hbm>>) target(%dma_start3A_92 : memref<128x32xf32, #tpu.memory_space<vmem>>) offsets(%dma_start3A_94 : memref<128xi32, #tpu.memory_space<vmem>>) semaphore(%arg7 : memref<!tpu.dma_semaphore, #tpu.memory_space<semaphore_mem>>)
    %dma_start3A_98 = arith.constant 1536 : i32
    %dma_start3A_99 = arith.constant 0 : i32
    %dma_start3A_100 = tpu.memref_slice %arg6[%dma_start3A_98, %dma_start3A_99] : memref<2048x32xf32, #tpu.memory_space<vmem>> -> memref<128x32xf32, #tpu.memory_space<vmem>>
    %dma_start3A_101 = arith.constant 1536 : i32
    %dma_start3A_102 = tpu.memref_slice %arg5[%dma_start3A_101] : memref<2048xi32, #tpu.memory_space<vmem>> -> memref<128xi32, #tpu.memory_space<vmem>>
    %dma_start3A_103 = arith.constant 0 : i32
    %dma_start3A_104 = arith.constant 0 : i32
    %dma_start3A_105 = tpu.memref_slice %arg2[%dma_start3A_103, %dma_start3A_104] : memref<2048x32xf32, #tpu.memory_space<hbm>> -> memref<2048x32xf32, #tpu.memory_space<hbm>>
    tpu.enqueue_indirect_dma source(%dma_start3A_105 : memref<2048x32xf32, #tpu.memory_space<hbm>>) target(%dma_start3A_100 : memref<128x32xf32, #tpu.memory_space<vmem>>) offsets(%dma_start3A_102 : memref<128xi32, #tpu.memory_space<vmem>>) semaphore(%arg7 : memref<!tpu.dma_semaphore, #tpu.memory_space<semaphore_mem>>)
    %dma_start3A_106 = arith.constant 1664 : i32
    %dma_start3A_107 = arith.constant 0 : i32
    %dma_start3A_108 = tpu.memref_slice %arg6[%dma_start3A_106, %dma_start3A_107] : memref<2048x32xf32, #tpu.memory_space<vmem>> -> memref<128x32xf32, #tpu.memory_space<vmem>>
    %dma_start3A_109 = arith.constant 1664 : i32
    %dma_start3A_110 = tpu.memref_slice %arg5[%dma_start3A_109] : memref<2048xi32, #tpu.memory_space<vmem>> -> memref<128xi32, #tpu.memory_space<vmem>>
    %dma_start3A_111 = arith.constant 0 : i32
    %dma_start3A_112 = arith.constant 0 : i32
    %dma_start3A_113 = tpu.memref_slice %arg2[%dma_start3A_111, %dma_start3A_112] : memref<2048x32xf32, #tpu.memory_space<hbm>> -> memref<2048x32xf32, #tpu.memory_space<hbm>>
    tpu.enqueue_indirect_dma source(%dma_start3A_113 : memref<2048x32xf32, #tpu.memory_space<hbm>>) target(%dma_start3A_108 : memref<128x32xf32, #tpu.memory_space<vmem>>) offsets(%dma_start3A_110 : memref<128xi32, #tpu.memory_space<vmem>>) semaphore(%arg7 : memref<!tpu.dma_semaphore, #tpu.memory_space<semaphore_mem>>)
    %dma_start3A_114 = arith.constant 1792 : i32
    %dma_start3A_115 = arith.constant 0 : i32
    %dma_start3A_116 = tpu.memref_slice %arg6[%dma_start3A_114, %dma_start3A_115] : memref<2048x32xf32, #tpu.memory_space<vmem>> -> memref<128x32xf32, #tpu.memory_space<vmem>>
    %dma_start3A_117 = arith.constant 1792 : i32
    %dma_start3A_118 = tpu.memref_slice %arg5[%dma_start3A_117] : memref<2048xi32, #tpu.memory_space<vmem>> -> memref<128xi32, #tpu.memory_space<vmem>>
    %dma_start3A_119 = arith.constant 0 : i32
    %dma_start3A_120 = arith.constant 0 : i32
    %dma_start3A_121 = tpu.memref_slice %arg2[%dma_start3A_119, %dma_start3A_120] : memref<2048x32xf32, #tpu.memory_space<hbm>> -> memref<2048x32xf32, #tpu.memory_space<hbm>>
    tpu.enqueue_indirect_dma source(%dma_start3A_121 : memref<2048x32xf32, #tpu.memory_space<hbm>>) target(%dma_start3A_116 : memref<128x32xf32, #tpu.memory_space<vmem>>) offsets(%dma_start3A_118 : memref<128xi32, #tpu.memory_space<vmem>>) semaphore(%arg7 : memref<!tpu.dma_semaphore, #tpu.memory_space<semaphore_mem>>)
    %dma_start3A_122 = arith.constant 1920 : i32
    %dma_start3A_123 = arith.constant 0 : i32
    %dma_start3A_124 = tpu.memref_slice %arg6[%dma_start3A_122, %dma_start3A_123] : memref<2048x32xf32, #tpu.memory_space<vmem>> -> memref<128x32xf32, #tpu.memory_space<vmem>>
    %dma_start3A_125 = arith.constant 1920 : i32
    %dma_start3A_126 = tpu.memref_slice %arg5[%dma_start3A_125] : memref<2048xi32, #tpu.memory_space<vmem>> -> memref<128xi32, #tpu.memory_space<vmem>>
    %dma_start3A_127 = arith.constant 0 : i32
    %dma_start3A_128 = arith.constant 0 : i32
    %dma_start3A_129 = tpu.memref_slice %arg2[%dma_start3A_127, %dma_start3A_128] : memref<2048x32xf32, #tpu.memory_space<hbm>> -> memref<2048x32xf32, #tpu.memory_space<hbm>>
    tpu.enqueue_indirect_dma source(%dma_start3A_129 : memref<2048x32xf32, #tpu.memory_space<hbm>>) target(%dma_start3A_124 : memref<128x32xf32, #tpu.memory_space<vmem>>) offsets(%dma_start3A_126 : memref<128xi32, #tpu.memory_space<vmem>>) semaphore(%arg7 : memref<!tpu.dma_semaphore, #tpu.memory_space<semaphore_mem>>)
    %dma_wait3A = arith.constant 0 : i32
    %dma_wait3A_130 = arith.constant 0 : i32
    %dma_wait3A_131 = tpu.memref_slice %arg6[%dma_wait3A, %dma_wait3A_130] : memref<2048x32xf32, #tpu.memory_space<vmem>> -> memref<128x32xf32, #tpu.memory_space<vmem>>
    %dma_wait3A_132 = arith.constant 0 : i32
    %dma_wait3A_133 = tpu.memref_slice %arg5[%dma_wait3A_132] : memref<2048xi32, #tpu.memory_space<vmem>> -> memref<128xi32, #tpu.memory_space<vmem>>
    %dma_wait3A_134 = arith.constant 0 : i32
    %dma_wait3A_135 = arith.constant 0 : i32
    %dma_wait3A_136 = tpu.memref_slice %arg2[%dma_wait3A_134, %dma_wait3A_135] : memref<2048x32xf32, #tpu.memory_space<hbm>> -> memref<2048x32xf32, #tpu.memory_space<hbm>>
    tpu.wait_indirect_dma semaphore(%arg7 : memref<!tpu.dma_semaphore, #tpu.memory_space<semaphore_mem>>) src(%dma_wait3A_136 : memref<2048x32xf32, #tpu.memory_space<hbm>>) dst(%dma_wait3A_131 : memref<128x32xf32, #tpu.memory_space<vmem>>)
    %dma_wait3A_137 = arith.constant 128 : i32
    %dma_wait3A_138 = arith.constant 0 : i32
    %dma_wait3A_139 = tpu.memref_slice %arg6[%dma_wait3A_137, %dma_wait3A_138] : memref<2048x32xf32, #tpu.memory_space<vmem>> -> memref<128x32xf32, #tpu.memory_space<vmem>>
    %dma_wait3A_140 = arith.constant 128 : i32
    %dma_wait3A_141 = tpu.memref_slice %arg5[%dma_wait3A_140] : memref<2048xi32, #tpu.memory_space<vmem>> -> memref<128xi32, #tpu.memory_space<vmem>>
    %dma_wait3A_142 = arith.constant 0 : i32
    %dma_wait3A_143 = arith.constant 0 : i32
    %dma_wait3A_144 = tpu.memref_slice %arg2[%dma_wait3A_142, %dma_wait3A_143] : memref<2048x32xf32, #tpu.memory_space<hbm>> -> memref<2048x32xf32, #tpu.memory_space<hbm>>
    tpu.wait_indirect_dma semaphore(%arg7 : memref<!tpu.dma_semaphore, #tpu.memory_space<semaphore_mem>>) src(%dma_wait3A_144 : memref<2048x32xf32, #tpu.memory_space<hbm>>) dst(%dma_wait3A_139 : memref<128x32xf32, #tpu.memory_space<vmem>>)
    %dma_wait3A_145 = arith.constant 256 : i32
    %dma_wait3A_146 = arith.constant 0 : i32
    %dma_wait3A_147 = tpu.memref_slice %arg6[%dma_wait3A_145, %dma_wait3A_146] : memref<2048x32xf32, #tpu.memory_space<vmem>> -> memref<128x32xf32, #tpu.memory_space<vmem>>
    %dma_wait3A_148 = arith.constant 256 : i32
    %dma_wait3A_149 = tpu.memref_slice %arg5[%dma_wait3A_148] : memref<2048xi32, #tpu.memory_space<vmem>> -> memref<128xi32, #tpu.memory_space<vmem>>
    %dma_wait3A_150 = arith.constant 0 : i32
    %dma_wait3A_151 = arith.constant 0 : i32
    %dma_wait3A_152 = tpu.memref_slice %arg2[%dma_wait3A_150, %dma_wait3A_151] : memref<2048x32xf32, #tpu.memory_space<hbm>> -> memref<2048x32xf32, #tpu.memory_space<hbm>>
    tpu.wait_indirect_dma semaphore(%arg7 : memref<!tpu.dma_semaphore, #tpu.memory_space<semaphore_mem>>) src(%dma_wait3A_152 : memref<2048x32xf32, #tpu.memory_space<hbm>>) dst(%dma_wait3A_147 : memref<128x32xf32, #tpu.memory_space<vmem>>)
    %dma_wait3A_153 = arith.constant 384 : i32
    %dma_wait3A_154 = arith.constant 0 : i32
    %dma_wait3A_155 = tpu.memref_slice %arg6[%dma_wait3A_153, %dma_wait3A_154] : memref<2048x32xf32, #tpu.memory_space<vmem>> -> memref<128x32xf32, #tpu.memory_space<vmem>>
    %dma_wait3A_156 = arith.constant 384 : i32
    %dma_wait3A_157 = tpu.memref_slice %arg5[%dma_wait3A_156] : memref<2048xi32, #tpu.memory_space<vmem>> -> memref<128xi32, #tpu.memory_space<vmem>>
    %dma_wait3A_158 = arith.constant 0 : i32
    %dma_wait3A_159 = arith.constant 0 : i32
    %dma_wait3A_160 = tpu.memref_slice %arg2[%dma_wait3A_158, %dma_wait3A_159] : memref<2048x32xf32, #tpu.memory_space<hbm>> -> memref<2048x32xf32, #tpu.memory_space<hbm>>
    tpu.wait_indirect_dma semaphore(%arg7 : memref<!tpu.dma_semaphore, #tpu.memory_space<semaphore_mem>>) src(%dma_wait3A_160 : memref<2048x32xf32, #tpu.memory_space<hbm>>) dst(%dma_wait3A_155 : memref<128x32xf32, #tpu.memory_space<vmem>>)
    %dma_wait3A_161 = arith.constant 512 : i32
    %dma_wait3A_162 = arith.constant 0 : i32
    %dma_wait3A_163 = tpu.memref_slice %arg6[%dma_wait3A_161, %dma_wait3A_162] : memref<2048x32xf32, #tpu.memory_space<vmem>> -> memref<128x32xf32, #tpu.memory_space<vmem>>
    %dma_wait3A_164 = arith.constant 512 : i32
    %dma_wait3A_165 = tpu.memref_slice %arg5[%dma_wait3A_164] : memref<2048xi32, #tpu.memory_space<vmem>> -> memref<128xi32, #tpu.memory_space<vmem>>
    %dma_wait3A_166 = arith.constant 0 : i32
    %dma_wait3A_167 = arith.constant 0 : i32
    %dma_wait3A_168 = tpu.memref_slice %arg2[%dma_wait3A_166, %dma_wait3A_167] : memref<2048x32xf32, #tpu.memory_space<hbm>> -> memref<2048x32xf32, #tpu.memory_space<hbm>>
    tpu.wait_indirect_dma semaphore(%arg7 : memref<!tpu.dma_semaphore, #tpu.memory_space<semaphore_mem>>) src(%dma_wait3A_168 : memref<2048x32xf32, #tpu.memory_space<hbm>>) dst(%dma_wait3A_163 : memref<128x32xf32, #tpu.memory_space<vmem>>)
    %dma_wait3A_169 = arith.constant 640 : i32
    %dma_wait3A_170 = arith.constant 0 : i32
    %dma_wait3A_171 = tpu.memref_slice %arg6[%dma_wait3A_169, %dma_wait3A_170] : memref<2048x32xf32, #tpu.memory_space<vmem>> -> memref<128x32xf32, #tpu.memory_space<vmem>>
    %dma_wait3A_172 = arith.constant 640 : i32
    %dma_wait3A_173 = tpu.memref_slice %arg5[%dma_wait3A_172] : memref<2048xi32, #tpu.memory_space<vmem>> -> memref<128xi32, #tpu.memory_space<vmem>>
    %dma_wait3A_174 = arith.constant 0 : i32
    %dma_wait3A_175 = arith.constant 0 : i32
    %dma_wait3A_176 = tpu.memref_slice %arg2[%dma_wait3A_174, %dma_wait3A_175] : memref<2048x32xf32, #tpu.memory_space<hbm>> -> memref<2048x32xf32, #tpu.memory_space<hbm>>
    tpu.wait_indirect_dma semaphore(%arg7 : memref<!tpu.dma_semaphore, #tpu.memory_space<semaphore_mem>>) src(%dma_wait3A_176 : memref<2048x32xf32, #tpu.memory_space<hbm>>) dst(%dma_wait3A_171 : memref<128x32xf32, #tpu.memory_space<vmem>>)
    %dma_wait3A_177 = arith.constant 768 : i32
    %dma_wait3A_178 = arith.constant 0 : i32
    %dma_wait3A_179 = tpu.memref_slice %arg6[%dma_wait3A_177, %dma_wait3A_178] : memref<2048x32xf32, #tpu.memory_space<vmem>> -> memref<128x32xf32, #tpu.memory_space<vmem>>
    %dma_wait3A_180 = arith.constant 768 : i32
    %dma_wait3A_181 = tpu.memref_slice %arg5[%dma_wait3A_180] : memref<2048xi32, #tpu.memory_space<vmem>> -> memref<128xi32, #tpu.memory_space<vmem>>
    %dma_wait3A_182 = arith.constant 0 : i32
    %dma_wait3A_183 = arith.constant 0 : i32
    %dma_wait3A_184 = tpu.memref_slice %arg2[%dma_wait3A_182, %dma_wait3A_183] : memref<2048x32xf32, #tpu.memory_space<hbm>> -> memref<2048x32xf32, #tpu.memory_space<hbm>>
    tpu.wait_indirect_dma semaphore(%arg7 : memref<!tpu.dma_semaphore, #tpu.memory_space<semaphore_mem>>) src(%dma_wait3A_184 : memref<2048x32xf32, #tpu.memory_space<hbm>>) dst(%dma_wait3A_179 : memref<128x32xf32, #tpu.memory_space<vmem>>)
    %dma_wait3A_185 = arith.constant 896 : i32
    %dma_wait3A_186 = arith.constant 0 : i32
    %dma_wait3A_187 = tpu.memref_slice %arg6[%dma_wait3A_185, %dma_wait3A_186] : memref<2048x32xf32, #tpu.memory_space<vmem>> -> memref<128x32xf32, #tpu.memory_space<vmem>>
    %dma_wait3A_188 = arith.constant 896 : i32
    %dma_wait3A_189 = tpu.memref_slice %arg5[%dma_wait3A_188] : memref<2048xi32, #tpu.memory_space<vmem>> -> memref<128xi32, #tpu.memory_space<vmem>>
    %dma_wait3A_190 = arith.constant 0 : i32
    %dma_wait3A_191 = arith.constant 0 : i32
    %dma_wait3A_192 = tpu.memref_slice %arg2[%dma_wait3A_190, %dma_wait3A_191] : memref<2048x32xf32, #tpu.memory_space<hbm>> -> memref<2048x32xf32, #tpu.memory_space<hbm>>
    tpu.wait_indirect_dma semaphore(%arg7 : memref<!tpu.dma_semaphore, #tpu.memory_space<semaphore_mem>>) src(%dma_wait3A_192 : memref<2048x32xf32, #tpu.memory_space<hbm>>) dst(%dma_wait3A_187 : memref<128x32xf32, #tpu.memory_space<vmem>>)
    %dma_wait3A_193 = arith.constant 1024 : i32
    %dma_wait3A_194 = arith.constant 0 : i32
    %dma_wait3A_195 = tpu.memref_slice %arg6[%dma_wait3A_193, %dma_wait3A_194] : memref<2048x32xf32, #tpu.memory_space<vmem>> -> memref<128x32xf32, #tpu.memory_space<vmem>>
    %dma_wait3A_196 = arith.constant 1024 : i32
    %dma_wait3A_197 = tpu.memref_slice %arg5[%dma_wait3A_196] : memref<2048xi32, #tpu.memory_space<vmem>> -> memref<128xi32, #tpu.memory_space<vmem>>
    %dma_wait3A_198 = arith.constant 0 : i32
    %dma_wait3A_199 = arith.constant 0 : i32
    %dma_wait3A_200 = tpu.memref_slice %arg2[%dma_wait3A_198, %dma_wait3A_199] : memref<2048x32xf32, #tpu.memory_space<hbm>> -> memref<2048x32xf32, #tpu.memory_space<hbm>>
    tpu.wait_indirect_dma semaphore(%arg7 : memref<!tpu.dma_semaphore, #tpu.memory_space<semaphore_mem>>) src(%dma_wait3A_200 : memref<2048x32xf32, #tpu.memory_space<hbm>>) dst(%dma_wait3A_195 : memref<128x32xf32, #tpu.memory_space<vmem>>)
    %dma_wait3A_201 = arith.constant 1152 : i32
    %dma_wait3A_202 = arith.constant 0 : i32
    %dma_wait3A_203 = tpu.memref_slice %arg6[%dma_wait3A_201, %dma_wait3A_202] : memref<2048x32xf32, #tpu.memory_space<vmem>> -> memref<128x32xf32, #tpu.memory_space<vmem>>
    %dma_wait3A_204 = arith.constant 1152 : i32
    %dma_wait3A_205 = tpu.memref_slice %arg5[%dma_wait3A_204] : memref<2048xi32, #tpu.memory_space<vmem>> -> memref<128xi32, #tpu.memory_space<vmem>>
    %dma_wait3A_206 = arith.constant 0 : i32
    %dma_wait3A_207 = arith.constant 0 : i32
    %dma_wait3A_208 = tpu.memref_slice %arg2[%dma_wait3A_206, %dma_wait3A_207] : memref<2048x32xf32, #tpu.memory_space<hbm>> -> memref<2048x32xf32, #tpu.memory_space<hbm>>
    tpu.wait_indirect_dma semaphore(%arg7 : memref<!tpu.dma_semaphore, #tpu.memory_space<semaphore_mem>>) src(%dma_wait3A_208 : memref<2048x32xf32, #tpu.memory_space<hbm>>) dst(%dma_wait3A_203 : memref<128x32xf32, #tpu.memory_space<vmem>>)
    %dma_wait3A_209 = arith.constant 1280 : i32
    %dma_wait3A_210 = arith.constant 0 : i32
    %dma_wait3A_211 = tpu.memref_slice %arg6[%dma_wait3A_209, %dma_wait3A_210] : memref<2048x32xf32, #tpu.memory_space<vmem>> -> memref<128x32xf32, #tpu.memory_space<vmem>>
    %dma_wait3A_212 = arith.constant 1280 : i32
    %dma_wait3A_213 = tpu.memref_slice %arg5[%dma_wait3A_212] : memref<2048xi32, #tpu.memory_space<vmem>> -> memref<128xi32, #tpu.memory_space<vmem>>
    %dma_wait3A_214 = arith.constant 0 : i32
    %dma_wait3A_215 = arith.constant 0 : i32
    %dma_wait3A_216 = tpu.memref_slice %arg2[%dma_wait3A_214, %dma_wait3A_215] : memref<2048x32xf32, #tpu.memory_space<hbm>> -> memref<2048x32xf32, #tpu.memory_space<hbm>>
    tpu.wait_indirect_dma semaphore(%arg7 : memref<!tpu.dma_semaphore, #tpu.memory_space<semaphore_mem>>) src(%dma_wait3A_216 : memref<2048x32xf32, #tpu.memory_space<hbm>>) dst(%dma_wait3A_211 : memref<128x32xf32, #tpu.memory_space<vmem>>)
    %dma_wait3A_217 = arith.constant 1408 : i32
    %dma_wait3A_218 = arith.constant 0 : i32
    %dma_wait3A_219 = tpu.memref_slice %arg6[%dma_wait3A_217, %dma_wait3A_218] : memref<2048x32xf32, #tpu.memory_space<vmem>> -> memref<128x32xf32, #tpu.memory_space<vmem>>
    %dma_wait3A_220 = arith.constant 1408 : i32
    %dma_wait3A_221 = tpu.memref_slice %arg5[%dma_wait3A_220] : memref<2048xi32, #tpu.memory_space<vmem>> -> memref<128xi32, #tpu.memory_space<vmem>>
    %dma_wait3A_222 = arith.constant 0 : i32
    %dma_wait3A_223 = arith.constant 0 : i32
    %dma_wait3A_224 = tpu.memref_slice %arg2[%dma_wait3A_222, %dma_wait3A_223] : memref<2048x32xf32, #tpu.memory_space<hbm>> -> memref<2048x32xf32, #tpu.memory_space<hbm>>
    tpu.wait_indirect_dma semaphore(%arg7 : memref<!tpu.dma_semaphore, #tpu.memory_space<semaphore_mem>>) src(%dma_wait3A_224 : memref<2048x32xf32, #tpu.memory_space<hbm>>) dst(%dma_wait3A_219 : memref<128x32xf32, #tpu.memory_space<vmem>>)
    %dma_wait3A_225 = arith.constant 1536 : i32
    %dma_wait3A_226 = arith.constant 0 : i32
    %dma_wait3A_227 = tpu.memref_slice %arg6[%dma_wait3A_225, %dma_wait3A_226] : memref<2048x32xf32, #tpu.memory_space<vmem>> -> memref<128x32xf32, #tpu.memory_space<vmem>>
    %dma_wait3A_228 = arith.constant 1536 : i32
    %dma_wait3A_229 = tpu.memref_slice %arg5[%dma_wait3A_228] : memref<2048xi32, #tpu.memory_space<vmem>> -> memref<128xi32, #tpu.memory_space<vmem>>
    %dma_wait3A_230 = arith.constant 0 : i32
    %dma_wait3A_231 = arith.constant 0 : i32
    %dma_wait3A_232 = tpu.memref_slice %arg2[%dma_wait3A_230, %dma_wait3A_231] : memref<2048x32xf32, #tpu.memory_space<hbm>> -> memref<2048x32xf32, #tpu.memory_space<hbm>>
    tpu.wait_indirect_dma semaphore(%arg7 : memref<!tpu.dma_semaphore, #tpu.memory_space<semaphore_mem>>) src(%dma_wait3A_232 : memref<2048x32xf32, #tpu.memory_space<hbm>>) dst(%dma_wait3A_227 : memref<128x32xf32, #tpu.memory_space<vmem>>)
    %dma_wait3A_233 = arith.constant 1664 : i32
    %dma_wait3A_234 = arith.constant 0 : i32
    %dma_wait3A_235 = tpu.memref_slice %arg6[%dma_wait3A_233, %dma_wait3A_234] : memref<2048x32xf32, #tpu.memory_space<vmem>> -> memref<128x32xf32, #tpu.memory_space<vmem>>
    %dma_wait3A_236 = arith.constant 1664 : i32
    %dma_wait3A_237 = tpu.memref_slice %arg5[%dma_wait3A_236] : memref<2048xi32, #tpu.memory_space<vmem>> -> memref<128xi32, #tpu.memory_space<vmem>>
    %dma_wait3A_238 = arith.constant 0 : i32
    %dma_wait3A_239 = arith.constant 0 : i32
    %dma_wait3A_240 = tpu.memref_slice %arg2[%dma_wait3A_238, %dma_wait3A_239] : memref<2048x32xf32, #tpu.memory_space<hbm>> -> memref<2048x32xf32, #tpu.memory_space<hbm>>
    tpu.wait_indirect_dma semaphore(%arg7 : memref<!tpu.dma_semaphore, #tpu.memory_space<semaphore_mem>>) src(%dma_wait3A_240 : memref<2048x32xf32, #tpu.memory_space<hbm>>) dst(%dma_wait3A_235 : memref<128x32xf32, #tpu.memory_space<vmem>>)
    %dma_wait3A_241 = arith.constant 1792 : i32
    %dma_wait3A_242 = arith.constant 0 : i32
    %dma_wait3A_243 = tpu.memref_slice %arg6[%dma_wait3A_241, %dma_wait3A_242] : memref<2048x32xf32, #tpu.memory_space<vmem>> -> memref<128x32xf32, #tpu.memory_space<vmem>>
    %dma_wait3A_244 = arith.constant 1792 : i32
    %dma_wait3A_245 = tpu.memref_slice %arg5[%dma_wait3A_244] : memref<2048xi32, #tpu.memory_space<vmem>> -> memref<128xi32, #tpu.memory_space<vmem>>
    %dma_wait3A_246 = arith.constant 0 : i32
    %dma_wait3A_247 = arith.constant 0 : i32
    %dma_wait3A_248 = tpu.memref_slice %arg2[%dma_wait3A_246, %dma_wait3A_247] : memref<2048x32xf32, #tpu.memory_space<hbm>> -> memref<2048x32xf32, #tpu.memory_space<hbm>>
    tpu.wait_indirect_dma semaphore(%arg7 : memref<!tpu.dma_semaphore, #tpu.memory_space<semaphore_mem>>) src(%dma_wait3A_248 : memref<2048x32xf32, #tpu.memory_space<hbm>>) dst(%dma_wait3A_243 : memref<128x32xf32, #tpu.memory_space<vmem>>)
    %dma_wait3A_249 = arith.constant 1920 : i32
    %dma_wait3A_250 = arith.constant 0 : i32
    %dma_wait3A_251 = tpu.memref_slice %arg6[%dma_wait3A_249, %dma_wait3A_250] : memref<2048x32xf32, #tpu.memory_space<vmem>> -> memref<128x32xf32, #tpu.memory_space<vmem>>
    %dma_wait3A_252 = arith.constant 1920 : i32
    %dma_wait3A_253 = tpu.memref_slice %arg5[%dma_wait3A_252] : memref<2048xi32, #tpu.memory_space<vmem>> -> memref<128xi32, #tpu.memory_space<vmem>>
    %dma_wait3A_254 = arith.constant 0 : i32
    %dma_wait3A_255 = arith.constant 0 : i32
    %dma_wait3A_256 = tpu.memref_slice %arg2[%dma_wait3A_254, %dma_wait3A_255] : memref<2048x32xf32, #tpu.memory_space<hbm>> -> memref<2048x32xf32, #tpu.memory_space<hbm>>
    tpu.wait_indirect_dma semaphore(%arg7 : memref<!tpu.dma_semaphore, #tpu.memory_space<semaphore_mem>>) src(%dma_wait3A_256 : memref<2048x32xf32, #tpu.memory_space<hbm>>) dst(%dma_wait3A_251 : memref<128x32xf32, #tpu.memory_space<vmem>>)
    "tpu.region"() ({
      %run_scoped3A = tpu.sem_alloc : memref<!tpu.dma_semaphore, #tpu.memory_space<semaphore_mem>>
      %dma_start3A_257 = arith.constant 0 : i32
      %dma_start3A_258 = tpu.memref_slice %arg4[%mul3A_2, %dma_start3A_257] : memref<65536x32xf32, #tpu.memory_space<hbm>> -> memref<2048x32xf32, #tpu.memory_space<hbm>>
      %dma_start3A_259 = arith.constant 0 : i32
      %dma_start3A_260 = tpu.memref_slice %arg4[%mul3A_2, %dma_start3A_259] : memref<65536x32xf32, #tpu.memory_space<hbm>> -> memref<2048x32xf32, #tpu.memory_space<hbm>>
      tpu.enqueue_dma source(%arg6 : memref<2048x32xf32, #tpu.memory_space<vmem>>) target(%dma_start3A_260 : memref<2048x32xf32, #tpu.memory_space<hbm>>) target_semaphore(%run_scoped3A : memref<!tpu.dma_semaphore, #tpu.memory_space<semaphore_mem>>)
      %dma_wait3A_261 = arith.constant 0 : i32
      %dma_wait3A_262 = tpu.memref_slice %arg4[%mul3A_2, %dma_wait3A_261] : memref<65536x32xf32, #tpu.memory_space<hbm>> -> memref<2048x32xf32, #tpu.memory_space<hbm>>
      %dma_wait3A_263 = arith.constant 0 : i32
      %dma_wait3A_264 = tpu.memref_slice %arg4[%mul3A_2, %dma_wait3A_263] : memref<65536x32xf32, #tpu.memory_space<hbm>> -> memref<2048x32xf32, #tpu.memory_space<hbm>>
      tpu.wait_dma2 semaphore(%run_scoped3A : memref<!tpu.dma_semaphore, #tpu.memory_space<semaphore_mem>>) src(%arg6 : memref<2048x32xf32, #tpu.memory_space<vmem>>) dst(%dma_wait3A_264 : memref<2048x32xf32, #tpu.memory_space<hbm>>)
      tpu.yield
    }) : () -> ()
    return
  }
}

module attributes {stable_mosaic.version = 14 : i64} {
  func.func @_knn_kernel(%arg0: i32, %arg1: i32, %arg2: memref<1x256x12xf32, #tpu.memory_space<vmem>>, %arg3: memref<1x3x1024xf32, #tpu.memory_space<vmem>>, %arg4: memref<1x256x1xf32, #tpu.memory_space<vmem>>, %arg5: memref<1x1x1024xf32, #tpu.memory_space<vmem>>, %arg6: memref<1x256x1xi32, #tpu.memory_space<vmem>>, %arg7: memref<1x256x1xi32, #tpu.memory_space<vmem>>, %arg8: memref<1x256x32xf32, #tpu.memory_space<vmem>>, %arg9: memref<1x256x32xi32, #tpu.memory_space<vmem>>, %arg10: memref<1x256x32xi32, #tpu.memory_space<vmem>>) attributes {dimension_semantics = [#tpu.dimension_semantics<arbitrary>, #tpu.dimension_semantics<arbitrary>], iteration_bounds = array<i64: 2, 4>, scalar_prefetch = 0 : i64, scratch_operands = 0 : i64, tpu.core_type = #tpu.core_type<tc>, window_params = [{transform_indices = @transform_0, window_bounds = array<i64: 1, 256, 12>}, {transform_indices = @transform_1, window_bounds = array<i64: 1, 3, 1024>}, {transform_indices = @transform_2, window_bounds = array<i64: 1, 256, 1>}, {transform_indices = @transform_3, window_bounds = array<i64: 1, 1, 1024>}, {transform_indices = @transform_4, window_bounds = array<i64: 1, 256, 1>}, {transform_indices = @transform_5, window_bounds = array<i64: 1, 256, 1>}, {transform_indices = @transform_6, window_bounds = array<i64: 1, 256, 32>}, {transform_indices = @transform_7, window_bounds = array<i64: 1, 256, 32>}, {transform_indices = @transform_8, window_bounds = array<i64: 1, 256, 32>}]} {
    %get3A = arith.constant 0 : index
    %get3A_0 = arith.constant 0 : index
    %get3A_1 = arith.constant 0 : index
    %get3A_2 = vector.load %arg2[%get3A, %get3A_0, %get3A_1] : memref<1x256x12xf32, #tpu.memory_space<vmem>>, vector<1x256x12xf32>
    %get3A_3 = vector.shape_cast %get3A_2 : vector<1x256x12xf32> to vector<256x12xf32>
    %slice3A = vector.extract_strided_slice %get3A_3 {offsets = [0, 0], sizes = [256, 1], strides = [1, 1]} : vector<256x12xf32> to vector<256x1xf32>
    %slice3A_4 = vector.extract_strided_slice %get3A_3 {offsets = [0, 1], sizes = [256, 1], strides = [1, 1]} : vector<256x12xf32> to vector<256x1xf32>
    %slice3A_5 = vector.extract_strided_slice %get3A_3 {offsets = [0, 2], sizes = [256, 1], strides = [1, 1]} : vector<256x12xf32> to vector<256x1xf32>
    %slice3A_6 = vector.extract_strided_slice %get3A_3 {offsets = [0, 3], sizes = [256, 1], strides = [1, 1]} : vector<256x12xf32> to vector<256x1xf32>
    %slice3A_7 = vector.extract_strided_slice %get3A_3 {offsets = [0, 4], sizes = [256, 1], strides = [1, 1]} : vector<256x12xf32> to vector<256x1xf32>
    %slice3A_8 = vector.extract_strided_slice %get3A_3 {offsets = [0, 5], sizes = [256, 1], strides = [1, 1]} : vector<256x12xf32> to vector<256x1xf32>
    %slice3A_9 = vector.extract_strided_slice %get3A_3 {offsets = [0, 6], sizes = [256, 1], strides = [1, 1]} : vector<256x12xf32> to vector<256x1xf32>
    %slice3A_10 = vector.extract_strided_slice %get3A_3 {offsets = [0, 7], sizes = [256, 1], strides = [1, 1]} : vector<256x12xf32> to vector<256x1xf32>
    %slice3A_11 = vector.extract_strided_slice %get3A_3 {offsets = [0, 8], sizes = [256, 1], strides = [1, 1]} : vector<256x12xf32> to vector<256x1xf32>
    %slice3A_12 = vector.extract_strided_slice %get3A_3 {offsets = [0, 9], sizes = [256, 1], strides = [1, 1]} : vector<256x12xf32> to vector<256x1xf32>
    %slice3A_13 = vector.extract_strided_slice %get3A_3 {offsets = [0, 10], sizes = [256, 1], strides = [1, 1]} : vector<256x12xf32> to vector<256x1xf32>
    %slice3A_14 = vector.extract_strided_slice %get3A_3 {offsets = [0, 11], sizes = [256, 1], strides = [1, 1]} : vector<256x12xf32> to vector<256x1xf32>
    %sub3A = arith.subf %slice3A_6, %slice3A : vector<256x1xf32>
    %sub3A_15 = arith.subf %slice3A_7, %slice3A_4 : vector<256x1xf32>
    %sub3A_16 = arith.subf %slice3A_8, %slice3A_5 : vector<256x1xf32>
    %sub3A_17 = arith.subf %slice3A_9, %slice3A_6 : vector<256x1xf32>
    %sub3A_18 = arith.subf %slice3A_10, %slice3A_7 : vector<256x1xf32>
    %sub3A_19 = arith.subf %slice3A_11, %slice3A_8 : vector<256x1xf32>
    %mul3A = arith.mulf %sub3A_15, %sub3A_19 : vector<256x1xf32>
    %mul3A_20 = arith.mulf %sub3A_16, %sub3A_18 : vector<256x1xf32>
    %sub3A_21 = arith.subf %mul3A, %mul3A_20 : vector<256x1xf32>
    %mul3A_22 = arith.mulf %sub3A_16, %sub3A_17 : vector<256x1xf32>
    %mul3A_23 = arith.mulf %sub3A, %sub3A_19 : vector<256x1xf32>
    %sub3A_24 = arith.subf %mul3A_22, %mul3A_23 : vector<256x1xf32>
    %mul3A_25 = arith.mulf %sub3A, %sub3A_18 : vector<256x1xf32>
    %mul3A_26 = arith.mulf %sub3A_15, %sub3A_17 : vector<256x1xf32>
    %sub3A_27 = arith.subf %mul3A_25, %mul3A_26 : vector<256x1xf32>
    %mul3A_28 = arith.constant -0.582734287 : f32
    %mul3A_29 = vector.broadcast %mul3A_28 : f32 to vector<256x1xf32>
    %mul3A_30 = arith.mulf %mul3A_29, %sub3A_21 : vector<256x1xf32>
    %mul3A_31 = arith.constant 0.568028271 : f32
    %mul3A_32 = vector.broadcast %mul3A_31 : f32 to vector<256x1xf32>
    %mul3A_33 = arith.mulf %mul3A_32, %sub3A : vector<256x1xf32>
    %add3A = arith.addf %mul3A_30, %mul3A_33 : vector<256x1xf32>
    %mul3A_34 = arith.constant -0.540674686 : f32
    %mul3A_35 = vector.broadcast %mul3A_34 : f32 to vector<256x1xf32>
    %mul3A_36 = arith.mulf %mul3A_35, %sub3A_17 : vector<256x1xf32>
    %add3A_37 = arith.addf %add3A, %mul3A_36 : vector<256x1xf32>
    %add3A_38 = arith.addf %add3A_37, %slice3A_6 : vector<256x1xf32>
    %mul3A_39 = arith.constant -0.582734287 : f32
    %mul3A_40 = vector.broadcast %mul3A_39 : f32 to vector<256x1xf32>
    %mul3A_41 = arith.mulf %mul3A_40, %sub3A_24 : vector<256x1xf32>
    %mul3A_42 = arith.constant 0.568028271 : f32
    %mul3A_43 = vector.broadcast %mul3A_42 : f32 to vector<256x1xf32>
    %mul3A_44 = arith.mulf %mul3A_43, %sub3A_15 : vector<256x1xf32>
    %add3A_45 = arith.addf %mul3A_41, %mul3A_44 : vector<256x1xf32>
    %mul3A_46 = arith.constant -0.540674686 : f32
    %mul3A_47 = vector.broadcast %mul3A_46 : f32 to vector<256x1xf32>
    %mul3A_48 = arith.mulf %mul3A_47, %sub3A_18 : vector<256x1xf32>
    %add3A_49 = arith.addf %add3A_45, %mul3A_48 : vector<256x1xf32>
    %add3A_50 = arith.addf %add3A_49, %slice3A_7 : vector<256x1xf32>
    %mul3A_51 = arith.constant -0.582734287 : f32
    %mul3A_52 = vector.broadcast %mul3A_51 : f32 to vector<256x1xf32>
    %mul3A_53 = arith.mulf %mul3A_52, %sub3A_27 : vector<256x1xf32>
    %mul3A_54 = arith.constant 0.568028271 : f32
    %mul3A_55 = vector.broadcast %mul3A_54 : f32 to vector<256x1xf32>
    %mul3A_56 = arith.mulf %mul3A_55, %sub3A_16 : vector<256x1xf32>
    %add3A_57 = arith.addf %mul3A_53, %mul3A_56 : vector<256x1xf32>
    %mul3A_58 = arith.constant -0.540674686 : f32
    %mul3A_59 = vector.broadcast %mul3A_58 : f32 to vector<256x1xf32>
    %mul3A_60 = arith.mulf %mul3A_59, %sub3A_19 : vector<256x1xf32>
    %add3A_61 = arith.addf %add3A_57, %mul3A_60 : vector<256x1xf32>
    %add3A_62 = arith.addf %add3A_61, %slice3A_8 : vector<256x1xf32>
    %get3A_63 = arith.constant 0 : index
    %get3A_64 = arith.constant 0 : index
    %get3A_65 = arith.constant 0 : index
    %get3A_66 = vector.load %arg6[%get3A_63, %get3A_64, %get3A_65] : memref<1x256x1xi32, #tpu.memory_space<vmem>>, vector<1x256x1xi32>
    %get3A_67 = vector.shape_cast %get3A_66 : vector<1x256x1xi32> to vector<256x1xi32>
    %convert_element_type3A = arith.sitofp %get3A_67 : vector<256x1xi32> to vector<256x1xf32>
    %get3A_68 = arith.constant 0 : index
    %get3A_69 = arith.constant 0 : index
    %get3A_70 = arith.constant 0 : index
    %get3A_71 = vector.load %arg7[%get3A_68, %get3A_69, %get3A_70] : memref<1x256x1xi32, #tpu.memory_space<vmem>>, vector<1x256x1xi32>
    %get3A_72 = vector.shape_cast %get3A_71 : vector<1x256x1xi32> to vector<256x1xi32>
    %convert_element_type3A_73 = arith.sitofp %get3A_72 : vector<256x1xi32> to vector<256x1xf32>
    %broadcast_in_dim3A = arith.constant 0.000000e+00 : f32
    %broadcast_in_dim3A_74 = vector.broadcast %broadcast_in_dim3A : f32 to vector<256x15xf32>
    %concatenate3A = tpu.concatenate %slice3A, %slice3A_4, %slice3A_5, %slice3A_6, %slice3A_7, %slice3A_8, %slice3A_9, %slice3A_10, %slice3A_11, %slice3A_12, %slice3A_13, %slice3A_14, %add3A_38, %add3A_50, %add3A_62, %convert_element_type3A, %convert_element_type3A_73, %broadcast_in_dim3A_74 in 1 : vector<256x1xf32>, vector<256x1xf32>, vector<256x1xf32>, vector<256x1xf32>, vector<256x1xf32>, vector<256x1xf32>, vector<256x1xf32>, vector<256x1xf32>, vector<256x1xf32>, vector<256x1xf32>, vector<256x1xf32>, vector<256x1xf32>, vector<256x1xf32>, vector<256x1xf32>, vector<256x1xf32>, vector<256x1xf32>, vector<256x1xf32>, vector<256x15xf32> -> vector<256x32xf32>
    %swap3A = arith.constant 0 : index
    %swap3A_75 = arith.constant 0 : index
    %swap3A_76 = arith.constant 0 : index
    %swap3A_77 = vector.load %arg8[%swap3A, %swap3A_75, %swap3A_76] : memref<1x256x32xf32, #tpu.memory_space<vmem>>, vector<1x256x32xf32>
    %swap3A_78 = vector.shape_cast %swap3A_77 : vector<1x256x32xf32> to vector<256x32xf32>
    %swap3A_79 = vector.shape_cast %concatenate3A : vector<256x32xf32> to vector<1x256x32xf32>
    tpu.vector_store %arg8[%swap3A, %swap3A_75, %swap3A_76], %swap3A_79 {strides = array<i32>} : memref<1x256x32xf32, #tpu.memory_space<vmem>>, vector<1x256x32xf32>,
    %get3A_80 = arith.constant 0 : index
    %get3A_81 = arith.constant 0 : index
    %get3A_82 = arith.constant 0 : index
    %get3A_83 = vector.load %arg3[%get3A_80, %get3A_81, %get3A_82] : memref<1x3x1024xf32, #tpu.memory_space<vmem>>, vector<1x3x1024xf32>
    %get3A_84 = vector.shape_cast %get3A_83 : vector<1x3x1024xf32> to vector<3x1024xf32>
    %slice3A_85 = vector.extract_strided_slice %get3A_84 {offsets = [0, 0], sizes = [1, 1024], strides = [1, 1]} : vector<3x1024xf32> to vector<1x1024xf32>
    %sub3A_86 = vector.broadcast %slice3A_6 : vector<256x1xf32> to vector<256x1024xf32>
    %sub3A_87 = vector.broadcast %slice3A_85 : vector<1x1024xf32> to vector<256x1024xf32>
    %sub3A_88 = arith.subf %sub3A_86, %sub3A_87 : vector<256x1024xf32>
    %slice3A_89 = vector.extract_strided_slice %get3A_84 {offsets = [1, 0], sizes = [1, 1024], strides = [1, 1]} : vector<3x1024xf32> to vector<1x1024xf32>
    %sub3A_90 = vector.broadcast %slice3A_7 : vector<256x1xf32> to vector<256x1024xf32>
    %sub3A_91 = vector.broadcast %slice3A_89 : vector<1x1024xf32> to vector<256x1024xf32>
    %sub3A_92 = arith.subf %sub3A_90, %sub3A_91 : vector<256x1024xf32>
    %slice3A_93 = vector.extract_strided_slice %get3A_84 {offsets = [2, 0], sizes = [1, 1024], strides = [1, 1]} : vector<3x1024xf32> to vector<1x1024xf32>
    %sub3A_94 = vector.broadcast %slice3A_8 : vector<256x1xf32> to vector<256x1024xf32>
    %sub3A_95 = vector.broadcast %slice3A_93 : vector<1x1024xf32> to vector<256x1024xf32>
    %sub3A_96 = arith.subf %sub3A_94, %sub3A_95 : vector<256x1024xf32>
    %get3A_97 = arith.constant 0 : index
    %get3A_98 = arith.constant 0 : index
    %get3A_99 = arith.constant 0 : index
    %get3A_100 = vector.load %arg4[%get3A_97, %get3A_98, %get3A_99] : memref<1x256x1xf32, #tpu.memory_space<vmem>>, vector<1x256x1xf32>
    %get3A_101 = vector.shape_cast %get3A_100 : vector<1x256x1xf32> to vector<256x1xf32>
    %get3A_102 = arith.constant 0 : index
    %get3A_103 = arith.constant 0 : index
    %get3A_104 = arith.constant 0 : index
    %get3A_105 = vector.load %arg5[%get3A_102, %get3A_103, %get3A_104] : memref<1x1x1024xf32, #tpu.memory_space<vmem>>, vector<1x1x1024xf32>
    %get3A_106 = vector.shape_cast %get3A_105 : vector<1x1x1024xf32> to vector<1x1024xf32>
    %mul3A_107 = vector.broadcast %get3A_101 : vector<256x1xf32> to vector<256x1024xf32>
    %mul3A_108 = vector.broadcast %get3A_106 : vector<1x1024xf32> to vector<256x1024xf32>
    %mul3A_109 = arith.mulf %mul3A_107, %mul3A_108 : vector<256x1024xf32>
    %mul3A_110 = arith.mulf %sub3A_88, %sub3A_88 : vector<256x1024xf32>
    %mul3A_111 = arith.mulf %sub3A_92, %sub3A_92 : vector<256x1024xf32>
    %add3A_112 = arith.addf %mul3A_110, %mul3A_111 : vector<256x1024xf32>
    %mul3A_113 = arith.mulf %sub3A_96, %sub3A_96 : vector<256x1024xf32>
    %add3A_114 = arith.addf %add3A_112, %mul3A_113 : vector<256x1024xf32>
    %add3A_115 = arith.constant 9.99999997E-7 : f32
    %add3A_116 = vector.broadcast %add3A_115 : f32 to vector<256x1024xf32>
    %add3A_117 = arith.addf %add3A_114, %add3A_116 : vector<256x1024xf32>
    %sqrt3A = math.sqrt %add3A_117 : vector<256x1024xf32>
    %mul3A_118 = arith.mulf %mul3A_109, %sqrt3A : vector<256x1024xf32>
    %reduce_max3A = arith.constant dense<0xFF800000> : vector<256xf32>
    %reduce_max3A_119 = vector.multi_reduction <maximumf>, %mul3A_118, %reduce_max3A [1] : vector<256x1024xf32> to vector<256xf32>
    %broadcast_in_dim3A_120 = vector.shape_cast %reduce_max3A_119 : vector<256xf32> to vector<256x1xf32>
    %sub3A_121 = arith.constant 1.000000e+00 : f32
    %sub3A_122 = vector.broadcast %sub3A_121 : f32 to vector<256x1024xf32>
    %sub3A_123 = arith.subf %sub3A_122, %mul3A_109 : vector<256x1024xf32>
    %mul3A_124 = vector.broadcast %broadcast_in_dim3A_120 : vector<256x1xf32> to vector<256x1024xf32>
    %mul3A_125 = arith.mulf %sub3A_123, %mul3A_124 : vector<256x1024xf32>
    %add3A_126 = arith.addf %mul3A_118, %mul3A_125 : vector<256x1024xf32>
    %iota3A = tpu.iota {dimensions = array<i32: 1>} : vector<256x1024xi32>
    %reduce_min3A = arith.constant dense<0x7F800000> : vector<256xf32>
    %reduce_min3A_127 = vector.multi_reduction <minimumf>, %add3A_126, %reduce_min3A [1] : vector<256x1024xf32> to vector<256xf32>
    %broadcast_in_dim3A_128 = vector.shape_cast %reduce_min3A_127 : vector<256xf32> to vector<256x1xf32>
    %eq3A = vector.broadcast %broadcast_in_dim3A_128 : vector<256x1xf32> to vector<256x1024xf32>
    %eq3A_129 = arith.cmpf oeq, %add3A_126, %eq3A : vector<256x1024xf32>
    %jit3A = arith.constant 1073741824 : i32
    %broadcast_in_dim3A_130 = vector.broadcast %jit3A : i32 to vector<256x1024xi32>
    %select_n3A = arith.select %eq3A_129, %iota3A, %broadcast_in_dim3A_130 : vector<256x1024xi1>, vector<256x1024xi32>
    %reduce_min3A_131 = arith.constant dense<2147483647> : vector<256xi32>
    %reduce_min3A_132 = vector.multi_reduction <minsi>, %select_n3A, %reduce_min3A_131 [1] : vector<256x1024xi32> to vector<256xi32>
    %broadcast_in_dim3A_133 = vector.shape_cast %reduce_min3A_132 : vector<256xi32> to vector<256x1xi32>
    %eq3A_134 = vector.broadcast %broadcast_in_dim3A_133 : vector<256x1xi32> to vector<256x1024xi32>
    %eq3A_135 = arith.cmpi eq, %iota3A, %eq3A_134 : vector<256x1024xi32>
    %jit3A_136 = arith.constant 0x7F800000 : f32
    %broadcast_in_dim3A_137 = vector.broadcast %jit3A_136 : f32 to vector<256x1024xf32>
    %select_n3A_138 = arith.select %eq3A_135, %broadcast_in_dim3A_137, %add3A_126 : vector<256x1024xi1>, vector<256x1024xf32>
    %reduce_min3A_139 = arith.constant dense<0x7F800000> : vector<256xf32>
    %reduce_min3A_140 = vector.multi_reduction <minimumf>, %select_n3A_138, %reduce_min3A_139 [1] : vector<256x1024xf32> to vector<256xf32>
    %broadcast_in_dim3A_141 = vector.shape_cast %reduce_min3A_140 : vector<256xf32> to vector<256x1xf32>
    %eq3A_142 = vector.broadcast %broadcast_in_dim3A_141 : vector<256x1xf32> to vector<256x1024xf32>
    %eq3A_143 = arith.cmpf oeq, %select_n3A_138, %eq3A_142 : vector<256x1024xf32>
    %jit3A_144 = arith.constant 1073741824 : i32
    %broadcast_in_dim3A_145 = vector.broadcast %jit3A_144 : i32 to vector<256x1024xi32>
    %select_n3A_146 = arith.select %eq3A_143, %iota3A, %broadcast_in_dim3A_145 : vector<256x1024xi1>, vector<256x1024xi32>
    %reduce_min3A_147 = arith.constant dense<2147483647> : vector<256xi32>
    %reduce_min3A_148 = vector.multi_reduction <minsi>, %select_n3A_146, %reduce_min3A_147 [1] : vector<256x1024xi32> to vector<256xi32>
    %broadcast_in_dim3A_149 = vector.shape_cast %reduce_min3A_148 : vector<256xi32> to vector<256x1xi32>
    %eq3A_150 = vector.broadcast %broadcast_in_dim3A_149 : vector<256x1xi32> to vector<256x1024xi32>
    %eq3A_151 = arith.cmpi eq, %iota3A, %eq3A_150 : vector<256x1024xi32>
    %jit3A_152 = arith.constant 0x7F800000 : f32
    %broadcast_in_dim3A_153 = vector.broadcast %jit3A_152 : f32 to vector<256x1024xf32>
    %select_n3A_154 = arith.select %eq3A_151, %broadcast_in_dim3A_153, %select_n3A_138 : vector<256x1024xi1>, vector<256x1024xf32>
    %reduce_min3A_155 = arith.constant dense<0x7F800000> : vector<256xf32>
    %reduce_min3A_156 = vector.multi_reduction <minimumf>, %select_n3A_154, %reduce_min3A_155 [1] : vector<256x1024xf32> to vector<256xf32>
    %broadcast_in_dim3A_157 = vector.shape_cast %reduce_min3A_156 : vector<256xf32> to vector<256x1xf32>
    %eq3A_158 = vector.broadcast %broadcast_in_dim3A_157 : vector<256x1xf32> to vector<256x1024xf32>
    %eq3A_159 = arith.cmpf oeq, %select_n3A_154, %eq3A_158 : vector<256x1024xf32>
    %jit3A_160 = arith.constant 1073741824 : i32
    %broadcast_in_dim3A_161 = vector.broadcast %jit3A_160 : i32 to vector<256x1024xi32>
    %select_n3A_162 = arith.select %eq3A_159, %iota3A, %broadcast_in_dim3A_161 : vector<256x1024xi1>, vector<256x1024xi32>
    %reduce_min3A_163 = arith.constant dense<2147483647> : vector<256xi32>
    %reduce_min3A_164 = vector.multi_reduction <minsi>, %select_n3A_162, %reduce_min3A_163 [1] : vector<256x1024xi32> to vector<256xi32>
    %broadcast_in_dim3A_165 = vector.shape_cast %reduce_min3A_164 : vector<256xi32> to vector<256x1xi32>
    %eq3A_166 = vector.broadcast %broadcast_in_dim3A_165 : vector<256x1xi32> to vector<256x1024xi32>
    %eq3A_167 = arith.cmpi eq, %iota3A, %eq3A_166 : vector<256x1024xi32>
    %jit3A_168 = arith.constant 0x7F800000 : f32
    %broadcast_in_dim3A_169 = vector.broadcast %jit3A_168 : f32 to vector<256x1024xf32>
    %select_n3A_170 = arith.select %eq3A_167, %broadcast_in_dim3A_169, %select_n3A_154 : vector<256x1024xi1>, vector<256x1024xf32>
    %reduce_min3A_171 = arith.constant dense<0x7F800000> : vector<256xf32>
    %reduce_min3A_172 = vector.multi_reduction <minimumf>, %select_n3A_170, %reduce_min3A_171 [1] : vector<256x1024xf32> to vector<256xf32>
    %broadcast_in_dim3A_173 = vector.shape_cast %reduce_min3A_172 : vector<256xf32> to vector<256x1xf32>
    %eq3A_174 = vector.broadcast %broadcast_in_dim3A_173 : vector<256x1xf32> to vector<256x1024xf32>
    %eq3A_175 = arith.cmpf oeq, %select_n3A_170, %eq3A_174 : vector<256x1024xf32>
    %jit3A_176 = arith.constant 1073741824 : i32
    %broadcast_in_dim3A_177 = vector.broadcast %jit3A_176 : i32 to vector<256x1024xi32>
    %select_n3A_178 = arith.select %eq3A_175, %iota3A, %broadcast_in_dim3A_177 : vector<256x1024xi1>, vector<256x1024xi32>
    %reduce_min3A_179 = arith.constant dense<2147483647> : vector<256xi32>
    %reduce_min3A_180 = vector.multi_reduction <minsi>, %select_n3A_178, %reduce_min3A_179 [1] : vector<256x1024xi32> to vector<256xi32>
    %broadcast_in_dim3A_181 = vector.shape_cast %reduce_min3A_180 : vector<256xi32> to vector<256x1xi32>
    %eq3A_182 = vector.broadcast %broadcast_in_dim3A_181 : vector<256x1xi32> to vector<256x1024xi32>
    %eq3A_183 = arith.cmpi eq, %iota3A, %eq3A_182 : vector<256x1024xi32>
    %jit3A_184 = arith.constant 0x7F800000 : f32
    %broadcast_in_dim3A_185 = vector.broadcast %jit3A_184 : f32 to vector<256x1024xf32>
    %select_n3A_186 = arith.select %eq3A_183, %broadcast_in_dim3A_185, %select_n3A_170 : vector<256x1024xi1>, vector<256x1024xf32>
    %reduce_min3A_187 = arith.constant dense<0x7F800000> : vector<256xf32>
    %reduce_min3A_188 = vector.multi_reduction <minimumf>, %select_n3A_186, %reduce_min3A_187 [1] : vector<256x1024xf32> to vector<256xf32>
    %broadcast_in_dim3A_189 = vector.shape_cast %reduce_min3A_188 : vector<256xf32> to vector<256x1xf32>
    %eq3A_190 = vector.broadcast %broadcast_in_dim3A_189 : vector<256x1xf32> to vector<256x1024xf32>
    %eq3A_191 = arith.cmpf oeq, %select_n3A_186, %eq3A_190 : vector<256x1024xf32>
    %jit3A_192 = arith.constant 1073741824 : i32
    %broadcast_in_dim3A_193 = vector.broadcast %jit3A_192 : i32 to vector<256x1024xi32>
    %select_n3A_194 = arith.select %eq3A_191, %iota3A, %broadcast_in_dim3A_193 : vector<256x1024xi1>, vector<256x1024xi32>
    %reduce_min3A_195 = arith.constant dense<2147483647> : vector<256xi32>
    %reduce_min3A_196 = vector.multi_reduction <minsi>, %select_n3A_194, %reduce_min3A_195 [1] : vector<256x1024xi32> to vector<256xi32>
    %broadcast_in_dim3A_197 = vector.shape_cast %reduce_min3A_196 : vector<256xi32> to vector<256x1xi32>
    %eq3A_198 = vector.broadcast %broadcast_in_dim3A_197 : vector<256x1xi32> to vector<256x1024xi32>
    %eq3A_199 = arith.cmpi eq, %iota3A, %eq3A_198 : vector<256x1024xi32>
    %jit3A_200 = arith.constant 0x7F800000 : f32
    %broadcast_in_dim3A_201 = vector.broadcast %jit3A_200 : f32 to vector<256x1024xf32>
    %select_n3A_202 = arith.select %eq3A_199, %broadcast_in_dim3A_201, %select_n3A_186 : vector<256x1024xi1>, vector<256x1024xf32>
    %reduce_min3A_203 = arith.constant dense<0x7F800000> : vector<256xf32>
    %reduce_min3A_204 = vector.multi_reduction <minimumf>, %select_n3A_202, %reduce_min3A_203 [1] : vector<256x1024xf32> to vector<256xf32>
    %broadcast_in_dim3A_205 = vector.shape_cast %reduce_min3A_204 : vector<256xf32> to vector<256x1xf32>
    %eq3A_206 = vector.broadcast %broadcast_in_dim3A_205 : vector<256x1xf32> to vector<256x1024xf32>
    %eq3A_207 = arith.cmpf oeq, %select_n3A_202, %eq3A_206 : vector<256x1024xf32>
    %jit3A_208 = arith.constant 1073741824 : i32
    %broadcast_in_dim3A_209 = vector.broadcast %jit3A_208 : i32 to vector<256x1024xi32>
    %select_n3A_210 = arith.select %eq3A_207, %iota3A, %broadcast_in_dim3A_209 : vector<256x1024xi1>, vector<256x1024xi32>
    %reduce_min3A_211 = arith.constant dense<2147483647> : vector<256xi32>
    %reduce_min3A_212 = vector.multi_reduction <minsi>, %select_n3A_210, %reduce_min3A_211 [1] : vector<256x1024xi32> to vector<256xi32>
    %broadcast_in_dim3A_213 = vector.shape_cast %reduce_min3A_212 : vector<256xi32> to vector<256x1xi32>
    %eq3A_214 = vector.broadcast %broadcast_in_dim3A_213 : vector<256x1xi32> to vector<256x1024xi32>
    %eq3A_215 = arith.cmpi eq, %iota3A, %eq3A_214 : vector<256x1024xi32>
    %jit3A_216 = arith.constant 0x7F800000 : f32
    %broadcast_in_dim3A_217 = vector.broadcast %jit3A_216 : f32 to vector<256x1024xf32>
    %select_n3A_218 = arith.select %eq3A_215, %broadcast_in_dim3A_217, %select_n3A_202 : vector<256x1024xi1>, vector<256x1024xf32>
    %reduce_min3A_219 = arith.constant dense<0x7F800000> : vector<256xf32>
    %reduce_min3A_220 = vector.multi_reduction <minimumf>, %select_n3A_218, %reduce_min3A_219 [1] : vector<256x1024xf32> to vector<256xf32>
    %broadcast_in_dim3A_221 = vector.shape_cast %reduce_min3A_220 : vector<256xf32> to vector<256x1xf32>
    %eq3A_222 = vector.broadcast %broadcast_in_dim3A_221 : vector<256x1xf32> to vector<256x1024xf32>
    %eq3A_223 = arith.cmpf oeq, %select_n3A_218, %eq3A_222 : vector<256x1024xf32>
    %jit3A_224 = arith.constant 1073741824 : i32
    %broadcast_in_dim3A_225 = vector.broadcast %jit3A_224 : i32 to vector<256x1024xi32>
    %select_n3A_226 = arith.select %eq3A_223, %iota3A, %broadcast_in_dim3A_225 : vector<256x1024xi1>, vector<256x1024xi32>
    %reduce_min3A_227 = arith.constant dense<2147483647> : vector<256xi32>
    %reduce_min3A_228 = vector.multi_reduction <minsi>, %select_n3A_226, %reduce_min3A_227 [1] : vector<256x1024xi32> to vector<256xi32>
    %broadcast_in_dim3A_229 = vector.shape_cast %reduce_min3A_228 : vector<256xi32> to vector<256x1xi32>
    %eq3A_230 = vector.broadcast %broadcast_in_dim3A_229 : vector<256x1xi32> to vector<256x1024xi32>
    %eq3A_231 = arith.cmpi eq, %iota3A, %eq3A_230 : vector<256x1024xi32>
    %jit3A_232 = arith.constant 0x7F800000 : f32
    %broadcast_in_dim3A_233 = vector.broadcast %jit3A_232 : f32 to vector<256x1024xf32>
    %select_n3A_234 = arith.select %eq3A_231, %broadcast_in_dim3A_233, %select_n3A_218 : vector<256x1024xi1>, vector<256x1024xf32>
    %reduce_min3A_235 = arith.constant dense<0x7F800000> : vector<256xf32>
    %reduce_min3A_236 = vector.multi_reduction <minimumf>, %select_n3A_234, %reduce_min3A_235 [1] : vector<256x1024xf32> to vector<256xf32>
    %broadcast_in_dim3A_237 = vector.shape_cast %reduce_min3A_236 : vector<256xf32> to vector<256x1xf32>
    %eq3A_238 = vector.broadcast %broadcast_in_dim3A_237 : vector<256x1xf32> to vector<256x1024xf32>
    %eq3A_239 = arith.cmpf oeq, %select_n3A_234, %eq3A_238 : vector<256x1024xf32>
    %jit3A_240 = arith.constant 1073741824 : i32
    %broadcast_in_dim3A_241 = vector.broadcast %jit3A_240 : i32 to vector<256x1024xi32>
    %select_n3A_242 = arith.select %eq3A_239, %iota3A, %broadcast_in_dim3A_241 : vector<256x1024xi1>, vector<256x1024xi32>
    %reduce_min3A_243 = arith.constant dense<2147483647> : vector<256xi32>
    %reduce_min3A_244 = vector.multi_reduction <minsi>, %select_n3A_242, %reduce_min3A_243 [1] : vector<256x1024xi32> to vector<256xi32>
    %broadcast_in_dim3A_245 = vector.shape_cast %reduce_min3A_244 : vector<256xi32> to vector<256x1xi32>
    %eq3A_246 = vector.broadcast %broadcast_in_dim3A_245 : vector<256x1xi32> to vector<256x1024xi32>
    %eq3A_247 = arith.cmpi eq, %iota3A, %eq3A_246 : vector<256x1024xi32>
    %jit3A_248 = arith.constant 0x7F800000 : f32
    %broadcast_in_dim3A_249 = vector.broadcast %jit3A_248 : f32 to vector<256x1024xf32>
    %select_n3A_250 = arith.select %eq3A_247, %broadcast_in_dim3A_249, %select_n3A_234 : vector<256x1024xi1>, vector<256x1024xf32>
    %reduce_min3A_251 = arith.constant dense<0x7F800000> : vector<256xf32>
    %reduce_min3A_252 = vector.multi_reduction <minimumf>, %select_n3A_250, %reduce_min3A_251 [1] : vector<256x1024xf32> to vector<256xf32>
    %broadcast_in_dim3A_253 = vector.shape_cast %reduce_min3A_252 : vector<256xf32> to vector<256x1xf32>
    %eq3A_254 = vector.broadcast %broadcast_in_dim3A_253 : vector<256x1xf32> to vector<256x1024xf32>
    %eq3A_255 = arith.cmpf oeq, %select_n3A_250, %eq3A_254 : vector<256x1024xf32>
    %jit3A_256 = arith.constant 1073741824 : i32
    %broadcast_in_dim3A_257 = vector.broadcast %jit3A_256 : i32 to vector<256x1024xi32>
    %select_n3A_258 = arith.select %eq3A_255, %iota3A, %broadcast_in_dim3A_257 : vector<256x1024xi1>, vector<256x1024xi32>
    %reduce_min3A_259 = arith.constant dense<2147483647> : vector<256xi32>
    %reduce_min3A_260 = vector.multi_reduction <minsi>, %select_n3A_258, %reduce_min3A_259 [1] : vector<256x1024xi32> to vector<256xi32>
    %broadcast_in_dim3A_261 = vector.shape_cast %reduce_min3A_260 : vector<256xi32> to vector<256x1xi32>
    %eq3A_262 = vector.broadcast %broadcast_in_dim3A_261 : vector<256x1xi32> to vector<256x1024xi32>
    %eq3A_263 = arith.cmpi eq, %iota3A, %eq3A_262 : vector<256x1024xi32>
    %jit3A_264 = arith.constant 0x7F800000 : f32
    %broadcast_in_dim3A_265 = vector.broadcast %jit3A_264 : f32 to vector<256x1024xf32>
    %select_n3A_266 = arith.select %eq3A_263, %broadcast_in_dim3A_265, %select_n3A_250 : vector<256x1024xi1>, vector<256x1024xf32>
    %reduce_min3A_267 = arith.constant dense<0x7F800000> : vector<256xf32>
    %reduce_min3A_268 = vector.multi_reduction <minimumf>, %select_n3A_266, %reduce_min3A_267 [1] : vector<256x1024xf32> to vector<256xf32>
    %broadcast_in_dim3A_269 = vector.shape_cast %reduce_min3A_268 : vector<256xf32> to vector<256x1xf32>
    %eq3A_270 = vector.broadcast %broadcast_in_dim3A_269 : vector<256x1xf32> to vector<256x1024xf32>
    %eq3A_271 = arith.cmpf oeq, %select_n3A_266, %eq3A_270 : vector<256x1024xf32>
    %jit3A_272 = arith.constant 1073741824 : i32
    %broadcast_in_dim3A_273 = vector.broadcast %jit3A_272 : i32 to vector<256x1024xi32>
    %select_n3A_274 = arith.select %eq3A_271, %iota3A, %broadcast_in_dim3A_273 : vector<256x1024xi1>, vector<256x1024xi32>
    %reduce_min3A_275 = arith.constant dense<2147483647> : vector<256xi32>
    %reduce_min3A_276 = vector.multi_reduction <minsi>, %select_n3A_274, %reduce_min3A_275 [1] : vector<256x1024xi32> to vector<256xi32>
    %broadcast_in_dim3A_277 = vector.shape_cast %reduce_min3A_276 : vector<256xi32> to vector<256x1xi32>
    %eq3A_278 = vector.broadcast %broadcast_in_dim3A_277 : vector<256x1xi32> to vector<256x1024xi32>
    %eq3A_279 = arith.cmpi eq, %iota3A, %eq3A_278 : vector<256x1024xi32>
    %jit3A_280 = arith.constant 0x7F800000 : f32
    %broadcast_in_dim3A_281 = vector.broadcast %jit3A_280 : f32 to vector<256x1024xf32>
    %select_n3A_282 = arith.select %eq3A_279, %broadcast_in_dim3A_281, %select_n3A_266 : vector<256x1024xi1>, vector<256x1024xf32>
    %reduce_min3A_283 = arith.constant dense<0x7F800000> : vector<256xf32>
    %reduce_min3A_284 = vector.multi_reduction <minimumf>, %select_n3A_282, %reduce_min3A_283 [1] : vector<256x1024xf32> to vector<256xf32>
    %broadcast_in_dim3A_285 = vector.shape_cast %reduce_min3A_284 : vector<256xf32> to vector<256x1xf32>
    %eq3A_286 = vector.broadcast %broadcast_in_dim3A_285 : vector<256x1xf32> to vector<256x1024xf32>
    %eq3A_287 = arith.cmpf oeq, %select_n3A_282, %eq3A_286 : vector<256x1024xf32>
    %jit3A_288 = arith.constant 1073741824 : i32
    %broadcast_in_dim3A_289 = vector.broadcast %jit3A_288 : i32 to vector<256x1024xi32>
    %select_n3A_290 = arith.select %eq3A_287, %iota3A, %broadcast_in_dim3A_289 : vector<256x1024xi1>, vector<256x1024xi32>
    %reduce_min3A_291 = arith.constant dense<2147483647> : vector<256xi32>
    %reduce_min3A_292 = vector.multi_reduction <minsi>, %select_n3A_290, %reduce_min3A_291 [1] : vector<256x1024xi32> to vector<256xi32>
    %broadcast_in_dim3A_293 = vector.shape_cast %reduce_min3A_292 : vector<256xi32> to vector<256x1xi32>
    %eq3A_294 = vector.broadcast %broadcast_in_dim3A_293 : vector<256x1xi32> to vector<256x1024xi32>
    %eq3A_295 = arith.cmpi eq, %iota3A, %eq3A_294 : vector<256x1024xi32>
    %jit3A_296 = arith.constant 0x7F800000 : f32
    %broadcast_in_dim3A_297 = vector.broadcast %jit3A_296 : f32 to vector<256x1024xf32>
    %select_n3A_298 = arith.select %eq3A_295, %broadcast_in_dim3A_297, %select_n3A_282 : vector<256x1024xi1>, vector<256x1024xf32>
    %reduce_min3A_299 = arith.constant dense<0x7F800000> : vector<256xf32>
    %reduce_min3A_300 = vector.multi_reduction <minimumf>, %select_n3A_298, %reduce_min3A_299 [1] : vector<256x1024xf32> to vector<256xf32>
    %broadcast_in_dim3A_301 = vector.shape_cast %reduce_min3A_300 : vector<256xf32> to vector<256x1xf32>
    %eq3A_302 = vector.broadcast %broadcast_in_dim3A_301 : vector<256x1xf32> to vector<256x1024xf32>
    %eq3A_303 = arith.cmpf oeq, %select_n3A_298, %eq3A_302 : vector<256x1024xf32>
    %jit3A_304 = arith.constant 1073741824 : i32
    %broadcast_in_dim3A_305 = vector.broadcast %jit3A_304 : i32 to vector<256x1024xi32>
    %select_n3A_306 = arith.select %eq3A_303, %iota3A, %broadcast_in_dim3A_305 : vector<256x1024xi1>, vector<256x1024xi32>
    %reduce_min3A_307 = arith.constant dense<2147483647> : vector<256xi32>
    %reduce_min3A_308 = vector.multi_reduction <minsi>, %select_n3A_306, %reduce_min3A_307 [1] : vector<256x1024xi32> to vector<256xi32>
    %broadcast_in_dim3A_309 = vector.shape_cast %reduce_min3A_308 : vector<256xi32> to vector<256x1xi32>
    %eq3A_310 = vector.broadcast %broadcast_in_dim3A_309 : vector<256x1xi32> to vector<256x1024xi32>
    %eq3A_311 = arith.cmpi eq, %iota3A, %eq3A_310 : vector<256x1024xi32>
    %jit3A_312 = arith.constant 0x7F800000 : f32
    %broadcast_in_dim3A_313 = vector.broadcast %jit3A_312 : f32 to vector<256x1024xf32>
    %select_n3A_314 = arith.select %eq3A_311, %broadcast_in_dim3A_313, %select_n3A_298 : vector<256x1024xi1>, vector<256x1024xf32>
    %reduce_min3A_315 = arith.constant dense<0x7F800000> : vector<256xf32>
    %reduce_min3A_316 = vector.multi_reduction <minimumf>, %select_n3A_314, %reduce_min3A_315 [1] : vector<256x1024xf32> to vector<256xf32>
    %broadcast_in_dim3A_317 = vector.shape_cast %reduce_min3A_316 : vector<256xf32> to vector<256x1xf32>
    %eq3A_318 = vector.broadcast %broadcast_in_dim3A_317 : vector<256x1xf32> to vector<256x1024xf32>
    %eq3A_319 = arith.cmpf oeq, %select_n3A_314, %eq3A_318 : vector<256x1024xf32>
    %jit3A_320 = arith.constant 1073741824 : i32
    %broadcast_in_dim3A_321 = vector.broadcast %jit3A_320 : i32 to vector<256x1024xi32>
    %select_n3A_322 = arith.select %eq3A_319, %iota3A, %broadcast_in_dim3A_321 : vector<256x1024xi1>, vector<256x1024xi32>
    %reduce_min3A_323 = arith.constant dense<2147483647> : vector<256xi32>
    %reduce_min3A_324 = vector.multi_reduction <minsi>, %select_n3A_322, %reduce_min3A_323 [1] : vector<256x1024xi32> to vector<256xi32>
    %broadcast_in_dim3A_325 = vector.shape_cast %reduce_min3A_324 : vector<256xi32> to vector<256x1xi32>
    %eq3A_326 = vector.broadcast %broadcast_in_dim3A_325 : vector<256x1xi32> to vector<256x1024xi32>
    %eq3A_327 = arith.cmpi eq, %iota3A, %eq3A_326 : vector<256x1024xi32>
    %jit3A_328 = arith.constant 0x7F800000 : f32
    %broadcast_in_dim3A_329 = vector.broadcast %jit3A_328 : f32 to vector<256x1024xf32>
    %select_n3A_330 = arith.select %eq3A_327, %broadcast_in_dim3A_329, %select_n3A_314 : vector<256x1024xi1>, vector<256x1024xf32>
    %reduce_min3A_331 = arith.constant dense<0x7F800000> : vector<256xf32>
    %reduce_min3A_332 = vector.multi_reduction <minimumf>, %select_n3A_330, %reduce_min3A_331 [1] : vector<256x1024xf32> to vector<256xf32>
    %broadcast_in_dim3A_333 = vector.shape_cast %reduce_min3A_332 : vector<256xf32> to vector<256x1xf32>
    %eq3A_334 = vector.broadcast %broadcast_in_dim3A_333 : vector<256x1xf32> to vector<256x1024xf32>
    %eq3A_335 = arith.cmpf oeq, %select_n3A_330, %eq3A_334 : vector<256x1024xf32>
    %jit3A_336 = arith.constant 1073741824 : i32
    %broadcast_in_dim3A_337 = vector.broadcast %jit3A_336 : i32 to vector<256x1024xi32>
    %select_n3A_338 = arith.select %eq3A_335, %iota3A, %broadcast_in_dim3A_337 : vector<256x1024xi1>, vector<256x1024xi32>
    %reduce_min3A_339 = arith.constant dense<2147483647> : vector<256xi32>
    %reduce_min3A_340 = vector.multi_reduction <minsi>, %select_n3A_338, %reduce_min3A_339 [1] : vector<256x1024xi32> to vector<256xi32>
    %broadcast_in_dim3A_341 = vector.shape_cast %reduce_min3A_340 : vector<256xi32> to vector<256x1xi32>
    %eq3A_342 = vector.broadcast %broadcast_in_dim3A_341 : vector<256x1xi32> to vector<256x1024xi32>
    %eq3A_343 = arith.cmpi eq, %iota3A, %eq3A_342 : vector<256x1024xi32>
    %jit3A_344 = arith.constant 0x7F800000 : f32
    %broadcast_in_dim3A_345 = vector.broadcast %jit3A_344 : f32 to vector<256x1024xf32>
    %select_n3A_346 = arith.select %eq3A_343, %broadcast_in_dim3A_345, %select_n3A_330 : vector<256x1024xi1>, vector<256x1024xf32>
    %reduce_min3A_347 = arith.constant dense<0x7F800000> : vector<256xf32>
    %reduce_min3A_348 = vector.multi_reduction <minimumf>, %select_n3A_346, %reduce_min3A_347 [1] : vector<256x1024xf32> to vector<256xf32>
    %broadcast_in_dim3A_349 = vector.shape_cast %reduce_min3A_348 : vector<256xf32> to vector<256x1xf32>
    %eq3A_350 = vector.broadcast %broadcast_in_dim3A_349 : vector<256x1xf32> to vector<256x1024xf32>
    %eq3A_351 = arith.cmpf oeq, %select_n3A_346, %eq3A_350 : vector<256x1024xf32>
    %jit3A_352 = arith.constant 1073741824 : i32
    %broadcast_in_dim3A_353 = vector.broadcast %jit3A_352 : i32 to vector<256x1024xi32>
    %select_n3A_354 = arith.select %eq3A_351, %iota3A, %broadcast_in_dim3A_353 : vector<256x1024xi1>, vector<256x1024xi32>
    %reduce_min3A_355 = arith.constant dense<2147483647> : vector<256xi32>
    %reduce_min3A_356 = vector.multi_reduction <minsi>, %select_n3A_354, %reduce_min3A_355 [1] : vector<256x1024xi32> to vector<256xi32>
    %broadcast_in_dim3A_357 = vector.shape_cast %reduce_min3A_356 : vector<256xi32> to vector<256x1xi32>
    %eq3A_358 = vector.broadcast %broadcast_in_dim3A_357 : vector<256x1xi32> to vector<256x1024xi32>
    %eq3A_359 = arith.cmpi eq, %iota3A, %eq3A_358 : vector<256x1024xi32>
    %jit3A_360 = arith.constant 0x7F800000 : f32
    %broadcast_in_dim3A_361 = vector.broadcast %jit3A_360 : f32 to vector<256x1024xf32>
    %select_n3A_362 = arith.select %eq3A_359, %broadcast_in_dim3A_361, %select_n3A_346 : vector<256x1024xi1>, vector<256x1024xf32>
    %reduce_min3A_363 = arith.constant dense<0x7F800000> : vector<256xf32>
    %reduce_min3A_364 = vector.multi_reduction <minimumf>, %select_n3A_362, %reduce_min3A_363 [1] : vector<256x1024xf32> to vector<256xf32>
    %broadcast_in_dim3A_365 = vector.shape_cast %reduce_min3A_364 : vector<256xf32> to vector<256x1xf32>
    %eq3A_366 = vector.broadcast %broadcast_in_dim3A_365 : vector<256x1xf32> to vector<256x1024xf32>
    %eq3A_367 = arith.cmpf oeq, %select_n3A_362, %eq3A_366 : vector<256x1024xf32>
    %jit3A_368 = arith.constant 1073741824 : i32
    %broadcast_in_dim3A_369 = vector.broadcast %jit3A_368 : i32 to vector<256x1024xi32>
    %select_n3A_370 = arith.select %eq3A_367, %iota3A, %broadcast_in_dim3A_369 : vector<256x1024xi1>, vector<256x1024xi32>
    %reduce_min3A_371 = arith.constant dense<2147483647> : vector<256xi32>
    %reduce_min3A_372 = vector.multi_reduction <minsi>, %select_n3A_370, %reduce_min3A_371 [1] : vector<256x1024xi32> to vector<256xi32>
    %broadcast_in_dim3A_373 = vector.shape_cast %reduce_min3A_372 : vector<256xi32> to vector<256x1xi32>
    %eq3A_374 = vector.broadcast %broadcast_in_dim3A_373 : vector<256x1xi32> to vector<256x1024xi32>
    %eq3A_375 = arith.cmpi eq, %iota3A, %eq3A_374 : vector<256x1024xi32>
    %jit3A_376 = arith.constant 0x7F800000 : f32
    %broadcast_in_dim3A_377 = vector.broadcast %jit3A_376 : f32 to vector<256x1024xf32>
    %select_n3A_378 = arith.select %eq3A_375, %broadcast_in_dim3A_377, %select_n3A_362 : vector<256x1024xi1>, vector<256x1024xf32>
    %reduce_min3A_379 = arith.constant dense<0x7F800000> : vector<256xf32>
    %reduce_min3A_380 = vector.multi_reduction <minimumf>, %select_n3A_378, %reduce_min3A_379 [1] : vector<256x1024xf32> to vector<256xf32>
    %broadcast_in_dim3A_381 = vector.shape_cast %reduce_min3A_380 : vector<256xf32> to vector<256x1xf32>
    %eq3A_382 = vector.broadcast %broadcast_in_dim3A_381 : vector<256x1xf32> to vector<256x1024xf32>
    %eq3A_383 = arith.cmpf oeq, %select_n3A_378, %eq3A_382 : vector<256x1024xf32>
    %jit3A_384 = arith.constant 1073741824 : i32
    %broadcast_in_dim3A_385 = vector.broadcast %jit3A_384 : i32 to vector<256x1024xi32>
    %select_n3A_386 = arith.select %eq3A_383, %iota3A, %broadcast_in_dim3A_385 : vector<256x1024xi1>, vector<256x1024xi32>
    %reduce_min3A_387 = arith.constant dense<2147483647> : vector<256xi32>
    %reduce_min3A_388 = vector.multi_reduction <minsi>, %select_n3A_386, %reduce_min3A_387 [1] : vector<256x1024xi32> to vector<256xi32>
    %broadcast_in_dim3A_389 = vector.shape_cast %reduce_min3A_388 : vector<256xi32> to vector<256x1xi32>
    %eq3A_390 = vector.broadcast %broadcast_in_dim3A_389 : vector<256x1xi32> to vector<256x1024xi32>
    %eq3A_391 = arith.cmpi eq, %iota3A, %eq3A_390 : vector<256x1024xi32>
    %jit3A_392 = arith.constant 0x7F800000 : f32
    %broadcast_in_dim3A_393 = vector.broadcast %jit3A_392 : f32 to vector<256x1024xf32>
    %select_n3A_394 = arith.select %eq3A_391, %broadcast_in_dim3A_393, %select_n3A_378 : vector<256x1024xi1>, vector<256x1024xf32>
    %reduce_min3A_395 = arith.constant dense<0x7F800000> : vector<256xf32>
    %reduce_min3A_396 = vector.multi_reduction <minimumf>, %select_n3A_394, %reduce_min3A_395 [1] : vector<256x1024xf32> to vector<256xf32>
    %broadcast_in_dim3A_397 = vector.shape_cast %reduce_min3A_396 : vector<256xf32> to vector<256x1xf32>
    %eq3A_398 = vector.broadcast %broadcast_in_dim3A_397 : vector<256x1xf32> to vector<256x1024xf32>
    %eq3A_399 = arith.cmpf oeq, %select_n3A_394, %eq3A_398 : vector<256x1024xf32>
    %jit3A_400 = arith.constant 1073741824 : i32
    %broadcast_in_dim3A_401 = vector.broadcast %jit3A_400 : i32 to vector<256x1024xi32>
    %select_n3A_402 = arith.select %eq3A_399, %iota3A, %broadcast_in_dim3A_401 : vector<256x1024xi1>, vector<256x1024xi32>
    %reduce_min3A_403 = arith.constant dense<2147483647> : vector<256xi32>
    %reduce_min3A_404 = vector.multi_reduction <minsi>, %select_n3A_402, %reduce_min3A_403 [1] : vector<256x1024xi32> to vector<256xi32>
    %broadcast_in_dim3A_405 = vector.shape_cast %reduce_min3A_404 : vector<256xi32> to vector<256x1xi32>
    %eq3A_406 = vector.broadcast %broadcast_in_dim3A_405 : vector<256x1xi32> to vector<256x1024xi32>
    %eq3A_407 = arith.cmpi eq, %iota3A, %eq3A_406 : vector<256x1024xi32>
    %jit3A_408 = arith.constant 0x7F800000 : f32
    %broadcast_in_dim3A_409 = vector.broadcast %jit3A_408 : f32 to vector<256x1024xf32>
    %select_n3A_410 = arith.select %eq3A_407, %broadcast_in_dim3A_409, %select_n3A_394 : vector<256x1024xi1>, vector<256x1024xf32>
    %reduce_min3A_411 = arith.constant dense<0x7F800000> : vector<256xf32>
    %reduce_min3A_412 = vector.multi_reduction <minimumf>, %select_n3A_410, %reduce_min3A_411 [1] : vector<256x1024xf32> to vector<256xf32>
    %broadcast_in_dim3A_413 = vector.shape_cast %reduce_min3A_412 : vector<256xf32> to vector<256x1xf32>
    %eq3A_414 = vector.broadcast %broadcast_in_dim3A_413 : vector<256x1xf32> to vector<256x1024xf32>
    %eq3A_415 = arith.cmpf oeq, %select_n3A_410, %eq3A_414 : vector<256x1024xf32>
    %jit3A_416 = arith.constant 1073741824 : i32
    %broadcast_in_dim3A_417 = vector.broadcast %jit3A_416 : i32 to vector<256x1024xi32>
    %select_n3A_418 = arith.select %eq3A_415, %iota3A, %broadcast_in_dim3A_417 : vector<256x1024xi1>, vector<256x1024xi32>
    %reduce_min3A_419 = arith.constant dense<2147483647> : vector<256xi32>
    %reduce_min3A_420 = vector.multi_reduction <minsi>, %select_n3A_418, %reduce_min3A_419 [1] : vector<256x1024xi32> to vector<256xi32>
    %broadcast_in_dim3A_421 = vector.shape_cast %reduce_min3A_420 : vector<256xi32> to vector<256x1xi32>
    %eq3A_422 = vector.broadcast %broadcast_in_dim3A_421 : vector<256x1xi32> to vector<256x1024xi32>
    %eq3A_423 = arith.cmpi eq, %iota3A, %eq3A_422 : vector<256x1024xi32>
    %jit3A_424 = arith.constant 0x7F800000 : f32
    %broadcast_in_dim3A_425 = vector.broadcast %jit3A_424 : f32 to vector<256x1024xf32>
    %select_n3A_426 = arith.select %eq3A_423, %broadcast_in_dim3A_425, %select_n3A_410 : vector<256x1024xi1>, vector<256x1024xf32>
    %reduce_min3A_427 = arith.constant dense<0x7F800000> : vector<256xf32>
    %reduce_min3A_428 = vector.multi_reduction <minimumf>, %select_n3A_426, %reduce_min3A_427 [1] : vector<256x1024xf32> to vector<256xf32>
    %broadcast_in_dim3A_429 = vector.shape_cast %reduce_min3A_428 : vector<256xf32> to vector<256x1xf32>
    %eq3A_430 = vector.broadcast %broadcast_in_dim3A_429 : vector<256x1xf32> to vector<256x1024xf32>
    %eq3A_431 = arith.cmpf oeq, %select_n3A_426, %eq3A_430 : vector<256x1024xf32>
    %jit3A_432 = arith.constant 1073741824 : i32
    %broadcast_in_dim3A_433 = vector.broadcast %jit3A_432 : i32 to vector<256x1024xi32>
    %select_n3A_434 = arith.select %eq3A_431, %iota3A, %broadcast_in_dim3A_433 : vector<256x1024xi1>, vector<256x1024xi32>
    %reduce_min3A_435 = arith.constant dense<2147483647> : vector<256xi32>
    %reduce_min3A_436 = vector.multi_reduction <minsi>, %select_n3A_434, %reduce_min3A_435 [1] : vector<256x1024xi32> to vector<256xi32>
    %broadcast_in_dim3A_437 = vector.shape_cast %reduce_min3A_436 : vector<256xi32> to vector<256x1xi32>
    %eq3A_438 = vector.broadcast %broadcast_in_dim3A_437 : vector<256x1xi32> to vector<256x1024xi32>
    %eq3A_439 = arith.cmpi eq, %iota3A, %eq3A_438 : vector<256x1024xi32>
    %jit3A_440 = arith.constant 0x7F800000 : f32
    %broadcast_in_dim3A_441 = vector.broadcast %jit3A_440 : f32 to vector<256x1024xf32>
    %select_n3A_442 = arith.select %eq3A_439, %broadcast_in_dim3A_441, %select_n3A_426 : vector<256x1024xi1>, vector<256x1024xf32>
    %reduce_min3A_443 = arith.constant dense<0x7F800000> : vector<256xf32>
    %reduce_min3A_444 = vector.multi_reduction <minimumf>, %select_n3A_442, %reduce_min3A_443 [1] : vector<256x1024xf32> to vector<256xf32>
    %broadcast_in_dim3A_445 = vector.shape_cast %reduce_min3A_444 : vector<256xf32> to vector<256x1xf32>
    %eq3A_446 = vector.broadcast %broadcast_in_dim3A_445 : vector<256x1xf32> to vector<256x1024xf32>
    %eq3A_447 = arith.cmpf oeq, %select_n3A_442, %eq3A_446 : vector<256x1024xf32>
    %jit3A_448 = arith.constant 1073741824 : i32
    %broadcast_in_dim3A_449 = vector.broadcast %jit3A_448 : i32 to vector<256x1024xi32>
    %select_n3A_450 = arith.select %eq3A_447, %iota3A, %broadcast_in_dim3A_449 : vector<256x1024xi1>, vector<256x1024xi32>
    %reduce_min3A_451 = arith.constant dense<2147483647> : vector<256xi32>
    %reduce_min3A_452 = vector.multi_reduction <minsi>, %select_n3A_450, %reduce_min3A_451 [1] : vector<256x1024xi32> to vector<256xi32>
    %broadcast_in_dim3A_453 = vector.shape_cast %reduce_min3A_452 : vector<256xi32> to vector<256x1xi32>
    %eq3A_454 = vector.broadcast %broadcast_in_dim3A_453 : vector<256x1xi32> to vector<256x1024xi32>
    %eq3A_455 = arith.cmpi eq, %iota3A, %eq3A_454 : vector<256x1024xi32>
    %jit3A_456 = arith.constant 0x7F800000 : f32
    %broadcast_in_dim3A_457 = vector.broadcast %jit3A_456 : f32 to vector<256x1024xf32>
    %select_n3A_458 = arith.select %eq3A_455, %broadcast_in_dim3A_457, %select_n3A_442 : vector<256x1024xi1>, vector<256x1024xf32>
    %reduce_min3A_459 = arith.constant dense<0x7F800000> : vector<256xf32>
    %reduce_min3A_460 = vector.multi_reduction <minimumf>, %select_n3A_458, %reduce_min3A_459 [1] : vector<256x1024xf32> to vector<256xf32>
    %broadcast_in_dim3A_461 = vector.shape_cast %reduce_min3A_460 : vector<256xf32> to vector<256x1xf32>
    %eq3A_462 = vector.broadcast %broadcast_in_dim3A_461 : vector<256x1xf32> to vector<256x1024xf32>
    %eq3A_463 = arith.cmpf oeq, %select_n3A_458, %eq3A_462 : vector<256x1024xf32>
    %jit3A_464 = arith.constant 1073741824 : i32
    %broadcast_in_dim3A_465 = vector.broadcast %jit3A_464 : i32 to vector<256x1024xi32>
    %select_n3A_466 = arith.select %eq3A_463, %iota3A, %broadcast_in_dim3A_465 : vector<256x1024xi1>, vector<256x1024xi32>
    %reduce_min3A_467 = arith.constant dense<2147483647> : vector<256xi32>
    %reduce_min3A_468 = vector.multi_reduction <minsi>, %select_n3A_466, %reduce_min3A_467 [1] : vector<256x1024xi32> to vector<256xi32>
    %broadcast_in_dim3A_469 = vector.shape_cast %reduce_min3A_468 : vector<256xi32> to vector<256x1xi32>
    %eq3A_470 = vector.broadcast %broadcast_in_dim3A_469 : vector<256x1xi32> to vector<256x1024xi32>
    %eq3A_471 = arith.cmpi eq, %iota3A, %eq3A_470 : vector<256x1024xi32>
    %jit3A_472 = arith.constant 0x7F800000 : f32
    %broadcast_in_dim3A_473 = vector.broadcast %jit3A_472 : f32 to vector<256x1024xf32>
    %select_n3A_474 = arith.select %eq3A_471, %broadcast_in_dim3A_473, %select_n3A_458 : vector<256x1024xi1>, vector<256x1024xf32>
    %reduce_min3A_475 = arith.constant dense<0x7F800000> : vector<256xf32>
    %reduce_min3A_476 = vector.multi_reduction <minimumf>, %select_n3A_474, %reduce_min3A_475 [1] : vector<256x1024xf32> to vector<256xf32>
    %broadcast_in_dim3A_477 = vector.shape_cast %reduce_min3A_476 : vector<256xf32> to vector<256x1xf32>
    %eq3A_478 = vector.broadcast %broadcast_in_dim3A_477 : vector<256x1xf32> to vector<256x1024xf32>
    %eq3A_479 = arith.cmpf oeq, %select_n3A_474, %eq3A_478 : vector<256x1024xf32>
    %jit3A_480 = arith.constant 1073741824 : i32
    %broadcast_in_dim3A_481 = vector.broadcast %jit3A_480 : i32 to vector<256x1024xi32>
    %select_n3A_482 = arith.select %eq3A_479, %iota3A, %broadcast_in_dim3A_481 : vector<256x1024xi1>, vector<256x1024xi32>
    %reduce_min3A_483 = arith.constant dense<2147483647> : vector<256xi32>
    %reduce_min3A_484 = vector.multi_reduction <minsi>, %select_n3A_482, %reduce_min3A_483 [1] : vector<256x1024xi32> to vector<256xi32>
    %broadcast_in_dim3A_485 = vector.shape_cast %reduce_min3A_484 : vector<256xi32> to vector<256x1xi32>
    %eq3A_486 = vector.broadcast %broadcast_in_dim3A_485 : vector<256x1xi32> to vector<256x1024xi32>
    %eq3A_487 = arith.cmpi eq, %iota3A, %eq3A_486 : vector<256x1024xi32>
    %jit3A_488 = arith.constant 0x7F800000 : f32
    %broadcast_in_dim3A_489 = vector.broadcast %jit3A_488 : f32 to vector<256x1024xf32>
    %select_n3A_490 = arith.select %eq3A_487, %broadcast_in_dim3A_489, %select_n3A_474 : vector<256x1024xi1>, vector<256x1024xf32>
    %reduce_min3A_491 = arith.constant dense<0x7F800000> : vector<256xf32>
    %reduce_min3A_492 = vector.multi_reduction <minimumf>, %select_n3A_490, %reduce_min3A_491 [1] : vector<256x1024xf32> to vector<256xf32>
    %broadcast_in_dim3A_493 = vector.shape_cast %reduce_min3A_492 : vector<256xf32> to vector<256x1xf32>
    %eq3A_494 = vector.broadcast %broadcast_in_dim3A_493 : vector<256x1xf32> to vector<256x1024xf32>
    %eq3A_495 = arith.cmpf oeq, %select_n3A_490, %eq3A_494 : vector<256x1024xf32>
    %jit3A_496 = arith.constant 1073741824 : i32
    %broadcast_in_dim3A_497 = vector.broadcast %jit3A_496 : i32 to vector<256x1024xi32>
    %select_n3A_498 = arith.select %eq3A_495, %iota3A, %broadcast_in_dim3A_497 : vector<256x1024xi1>, vector<256x1024xi32>
    %reduce_min3A_499 = arith.constant dense<2147483647> : vector<256xi32>
    %reduce_min3A_500 = vector.multi_reduction <minsi>, %select_n3A_498, %reduce_min3A_499 [1] : vector<256x1024xi32> to vector<256xi32>
    %broadcast_in_dim3A_501 = vector.shape_cast %reduce_min3A_500 : vector<256xi32> to vector<256x1xi32>
    %eq3A_502 = vector.broadcast %broadcast_in_dim3A_501 : vector<256x1xi32> to vector<256x1024xi32>
    %eq3A_503 = arith.cmpi eq, %iota3A, %eq3A_502 : vector<256x1024xi32>
    %jit3A_504 = arith.constant 0x7F800000 : f32
    %broadcast_in_dim3A_505 = vector.broadcast %jit3A_504 : f32 to vector<256x1024xf32>
    %select_n3A_506 = arith.select %eq3A_503, %broadcast_in_dim3A_505, %select_n3A_490 : vector<256x1024xi1>, vector<256x1024xf32>
    %reduce_min3A_507 = arith.constant dense<0x7F800000> : vector<256xf32>
    %reduce_min3A_508 = vector.multi_reduction <minimumf>, %select_n3A_506, %reduce_min3A_507 [1] : vector<256x1024xf32> to vector<256xf32>
    %broadcast_in_dim3A_509 = vector.shape_cast %reduce_min3A_508 : vector<256xf32> to vector<256x1xf32>
    %eq3A_510 = vector.broadcast %broadcast_in_dim3A_509 : vector<256x1xf32> to vector<256x1024xf32>
    %eq3A_511 = arith.cmpf oeq, %select_n3A_506, %eq3A_510 : vector<256x1024xf32>
    %jit3A_512 = arith.constant 1073741824 : i32
    %broadcast_in_dim3A_513 = vector.broadcast %jit3A_512 : i32 to vector<256x1024xi32>
    %select_n3A_514 = arith.select %eq3A_511, %iota3A, %broadcast_in_dim3A_513 : vector<256x1024xi1>, vector<256x1024xi32>
    %reduce_min3A_515 = arith.constant dense<2147483647> : vector<256xi32>
    %reduce_min3A_516 = vector.multi_reduction <minsi>, %select_n3A_514, %reduce_min3A_515 [1] : vector<256x1024xi32> to vector<256xi32>
    %broadcast_in_dim3A_517 = vector.shape_cast %reduce_min3A_516 : vector<256xi32> to vector<256x1xi32>
    %eq3A_518 = vector.broadcast %broadcast_in_dim3A_517 : vector<256x1xi32> to vector<256x1024xi32>
    %eq3A_519 = arith.cmpi eq, %iota3A, %eq3A_518 : vector<256x1024xi32>
    %jit3A_520 = arith.constant 0x7F800000 : f32
    %broadcast_in_dim3A_521 = vector.broadcast %jit3A_520 : f32 to vector<256x1024xf32>
    %select_n3A_522 = arith.select %eq3A_519, %broadcast_in_dim3A_521, %select_n3A_506 : vector<256x1024xi1>, vector<256x1024xf32>
    %reduce_min3A_523 = arith.constant dense<0x7F800000> : vector<256xf32>
    %reduce_min3A_524 = vector.multi_reduction <minimumf>, %select_n3A_522, %reduce_min3A_523 [1] : vector<256x1024xf32> to vector<256xf32>
    %broadcast_in_dim3A_525 = vector.shape_cast %reduce_min3A_524 : vector<256xf32> to vector<256x1xf32>
    %eq3A_526 = vector.broadcast %broadcast_in_dim3A_525 : vector<256x1xf32> to vector<256x1024xf32>
    %eq3A_527 = arith.cmpf oeq, %select_n3A_522, %eq3A_526 : vector<256x1024xf32>
    %jit3A_528 = arith.constant 1073741824 : i32
    %broadcast_in_dim3A_529 = vector.broadcast %jit3A_528 : i32 to vector<256x1024xi32>
    %select_n3A_530 = arith.select %eq3A_527, %iota3A, %broadcast_in_dim3A_529 : vector<256x1024xi1>, vector<256x1024xi32>
    %reduce_min3A_531 = arith.constant dense<2147483647> : vector<256xi32>
    %reduce_min3A_532 = vector.multi_reduction <minsi>, %select_n3A_530, %reduce_min3A_531 [1] : vector<256x1024xi32> to vector<256xi32>
    %broadcast_in_dim3A_533 = vector.shape_cast %reduce_min3A_532 : vector<256xi32> to vector<256x1xi32>
    %eq3A_534 = vector.broadcast %broadcast_in_dim3A_533 : vector<256x1xi32> to vector<256x1024xi32>
    %eq3A_535 = arith.cmpi eq, %iota3A, %eq3A_534 : vector<256x1024xi32>
    %jit3A_536 = arith.constant 0x7F800000 : f32
    %broadcast_in_dim3A_537 = vector.broadcast %jit3A_536 : f32 to vector<256x1024xf32>
    %select_n3A_538 = arith.select %eq3A_535, %broadcast_in_dim3A_537, %select_n3A_522 : vector<256x1024xi1>, vector<256x1024xf32>
    %reduce_min3A_539 = arith.constant dense<0x7F800000> : vector<256xf32>
    %reduce_min3A_540 = vector.multi_reduction <minimumf>, %select_n3A_538, %reduce_min3A_539 [1] : vector<256x1024xf32> to vector<256xf32>
    %broadcast_in_dim3A_541 = vector.shape_cast %reduce_min3A_540 : vector<256xf32> to vector<256x1xf32>
    %eq3A_542 = vector.broadcast %broadcast_in_dim3A_541 : vector<256x1xf32> to vector<256x1024xf32>
    %eq3A_543 = arith.cmpf oeq, %select_n3A_538, %eq3A_542 : vector<256x1024xf32>
    %jit3A_544 = arith.constant 1073741824 : i32
    %broadcast_in_dim3A_545 = vector.broadcast %jit3A_544 : i32 to vector<256x1024xi32>
    %select_n3A_546 = arith.select %eq3A_543, %iota3A, %broadcast_in_dim3A_545 : vector<256x1024xi1>, vector<256x1024xi32>
    %reduce_min3A_547 = arith.constant dense<2147483647> : vector<256xi32>
    %reduce_min3A_548 = vector.multi_reduction <minsi>, %select_n3A_546, %reduce_min3A_547 [1] : vector<256x1024xi32> to vector<256xi32>
    %broadcast_in_dim3A_549 = vector.shape_cast %reduce_min3A_548 : vector<256xi32> to vector<256x1xi32>
    %eq3A_550 = vector.broadcast %broadcast_in_dim3A_549 : vector<256x1xi32> to vector<256x1024xi32>
    %eq3A_551 = arith.cmpi eq, %iota3A, %eq3A_550 : vector<256x1024xi32>
    %jit3A_552 = arith.constant 0x7F800000 : f32
    %broadcast_in_dim3A_553 = vector.broadcast %jit3A_552 : f32 to vector<256x1024xf32>
    %select_n3A_554 = arith.select %eq3A_551, %broadcast_in_dim3A_553, %select_n3A_538 : vector<256x1024xi1>, vector<256x1024xf32>
    %reduce_min3A_555 = arith.constant dense<0x7F800000> : vector<256xf32>
    %reduce_min3A_556 = vector.multi_reduction <minimumf>, %select_n3A_554, %reduce_min3A_555 [1] : vector<256x1024xf32> to vector<256xf32>
    %broadcast_in_dim3A_557 = vector.shape_cast %reduce_min3A_556 : vector<256xf32> to vector<256x1xf32>
    %eq3A_558 = vector.broadcast %broadcast_in_dim3A_557 : vector<256x1xf32> to vector<256x1024xf32>
    %eq3A_559 = arith.cmpf oeq, %select_n3A_554, %eq3A_558 : vector<256x1024xf32>
    %jit3A_560 = arith.constant 1073741824 : i32
    %broadcast_in_dim3A_561 = vector.broadcast %jit3A_560 : i32 to vector<256x1024xi32>
    %select_n3A_562 = arith.select %eq3A_559, %iota3A, %broadcast_in_dim3A_561 : vector<256x1024xi1>, vector<256x1024xi32>
    %reduce_min3A_563 = arith.constant dense<2147483647> : vector<256xi32>
    %reduce_min3A_564 = vector.multi_reduction <minsi>, %select_n3A_562, %reduce_min3A_563 [1] : vector<256x1024xi32> to vector<256xi32>
    %broadcast_in_dim3A_565 = vector.shape_cast %reduce_min3A_564 : vector<256xi32> to vector<256x1xi32>
    %eq3A_566 = vector.broadcast %broadcast_in_dim3A_565 : vector<256x1xi32> to vector<256x1024xi32>
    %eq3A_567 = arith.cmpi eq, %iota3A, %eq3A_566 : vector<256x1024xi32>
    %jit3A_568 = arith.constant 0x7F800000 : f32
    %broadcast_in_dim3A_569 = vector.broadcast %jit3A_568 : f32 to vector<256x1024xf32>
    %select_n3A_570 = arith.select %eq3A_567, %broadcast_in_dim3A_569, %select_n3A_554 : vector<256x1024xi1>, vector<256x1024xf32>
    %reduce_min3A_571 = arith.constant dense<0x7F800000> : vector<256xf32>
    %reduce_min3A_572 = vector.multi_reduction <minimumf>, %select_n3A_570, %reduce_min3A_571 [1] : vector<256x1024xf32> to vector<256xf32>
    %broadcast_in_dim3A_573 = vector.shape_cast %reduce_min3A_572 : vector<256xf32> to vector<256x1xf32>
    %eq3A_574 = vector.broadcast %broadcast_in_dim3A_573 : vector<256x1xf32> to vector<256x1024xf32>
    %eq3A_575 = arith.cmpf oeq, %select_n3A_570, %eq3A_574 : vector<256x1024xf32>
    %jit3A_576 = arith.constant 1073741824 : i32
    %broadcast_in_dim3A_577 = vector.broadcast %jit3A_576 : i32 to vector<256x1024xi32>
    %select_n3A_578 = arith.select %eq3A_575, %iota3A, %broadcast_in_dim3A_577 : vector<256x1024xi1>, vector<256x1024xi32>
    %reduce_min3A_579 = arith.constant dense<2147483647> : vector<256xi32>
    %reduce_min3A_580 = vector.multi_reduction <minsi>, %select_n3A_578, %reduce_min3A_579 [1] : vector<256x1024xi32> to vector<256xi32>
    %broadcast_in_dim3A_581 = vector.shape_cast %reduce_min3A_580 : vector<256xi32> to vector<256x1xi32>
    %eq3A_582 = vector.broadcast %broadcast_in_dim3A_581 : vector<256x1xi32> to vector<256x1024xi32>
    %eq3A_583 = arith.cmpi eq, %iota3A, %eq3A_582 : vector<256x1024xi32>
    %jit3A_584 = arith.constant 0x7F800000 : f32
    %broadcast_in_dim3A_585 = vector.broadcast %jit3A_584 : f32 to vector<256x1024xf32>
    %select_n3A_586 = arith.select %eq3A_583, %broadcast_in_dim3A_585, %select_n3A_570 : vector<256x1024xi1>, vector<256x1024xf32>
    %reduce_min3A_587 = arith.constant dense<0x7F800000> : vector<256xf32>
    %reduce_min3A_588 = vector.multi_reduction <minimumf>, %select_n3A_586, %reduce_min3A_587 [1] : vector<256x1024xf32> to vector<256xf32>
    %broadcast_in_dim3A_589 = vector.shape_cast %reduce_min3A_588 : vector<256xf32> to vector<256x1xf32>
    %eq3A_590 = vector.broadcast %broadcast_in_dim3A_589 : vector<256x1xf32> to vector<256x1024xf32>
    %eq3A_591 = arith.cmpf oeq, %select_n3A_586, %eq3A_590 : vector<256x1024xf32>
    %jit3A_592 = arith.constant 1073741824 : i32
    %broadcast_in_dim3A_593 = vector.broadcast %jit3A_592 : i32 to vector<256x1024xi32>
    %select_n3A_594 = arith.select %eq3A_591, %iota3A, %broadcast_in_dim3A_593 : vector<256x1024xi1>, vector<256x1024xi32>
    %reduce_min3A_595 = arith.constant dense<2147483647> : vector<256xi32>
    %reduce_min3A_596 = vector.multi_reduction <minsi>, %select_n3A_594, %reduce_min3A_595 [1] : vector<256x1024xi32> to vector<256xi32>
    %broadcast_in_dim3A_597 = vector.shape_cast %reduce_min3A_596 : vector<256xi32> to vector<256x1xi32>
    %eq3A_598 = vector.broadcast %broadcast_in_dim3A_597 : vector<256x1xi32> to vector<256x1024xi32>
    %eq3A_599 = arith.cmpi eq, %iota3A, %eq3A_598 : vector<256x1024xi32>
    %jit3A_600 = arith.constant 0x7F800000 : f32
    %broadcast_in_dim3A_601 = vector.broadcast %jit3A_600 : f32 to vector<256x1024xf32>
    %select_n3A_602 = arith.select %eq3A_599, %broadcast_in_dim3A_601, %select_n3A_586 : vector<256x1024xi1>, vector<256x1024xf32>
    %reduce_min3A_603 = arith.constant dense<0x7F800000> : vector<256xf32>
    %reduce_min3A_604 = vector.multi_reduction <minimumf>, %select_n3A_602, %reduce_min3A_603 [1] : vector<256x1024xf32> to vector<256xf32>
    %broadcast_in_dim3A_605 = vector.shape_cast %reduce_min3A_604 : vector<256xf32> to vector<256x1xf32>
    %eq3A_606 = vector.broadcast %broadcast_in_dim3A_605 : vector<256x1xf32> to vector<256x1024xf32>
    %eq3A_607 = arith.cmpf oeq, %select_n3A_602, %eq3A_606 : vector<256x1024xf32>
    %jit3A_608 = arith.constant 1073741824 : i32
    %broadcast_in_dim3A_609 = vector.broadcast %jit3A_608 : i32 to vector<256x1024xi32>
    %select_n3A_610 = arith.select %eq3A_607, %iota3A, %broadcast_in_dim3A_609 : vector<256x1024xi1>, vector<256x1024xi32>
    %reduce_min3A_611 = arith.constant dense<2147483647> : vector<256xi32>
    %reduce_min3A_612 = vector.multi_reduction <minsi>, %select_n3A_610, %reduce_min3A_611 [1] : vector<256x1024xi32> to vector<256xi32>
    %broadcast_in_dim3A_613 = vector.shape_cast %reduce_min3A_612 : vector<256xi32> to vector<256x1xi32>
    %eq3A_614 = vector.broadcast %broadcast_in_dim3A_613 : vector<256x1xi32> to vector<256x1024xi32>
    %eq3A_615 = arith.cmpi eq, %iota3A, %eq3A_614 : vector<256x1024xi32>
    %jit3A_616 = arith.constant 0x7F800000 : f32
    %broadcast_in_dim3A_617 = vector.broadcast %jit3A_616 : f32 to vector<256x1024xf32>
    %select_n3A_618 = arith.select %eq3A_615, %broadcast_in_dim3A_617, %select_n3A_602 : vector<256x1024xi1>, vector<256x1024xf32>
    %reduce_min3A_619 = arith.constant dense<0x7F800000> : vector<256xf32>
    %reduce_min3A_620 = vector.multi_reduction <minimumf>, %select_n3A_618, %reduce_min3A_619 [1] : vector<256x1024xf32> to vector<256xf32>
    %broadcast_in_dim3A_621 = vector.shape_cast %reduce_min3A_620 : vector<256xf32> to vector<256x1xf32>
    %eq3A_622 = vector.broadcast %broadcast_in_dim3A_621 : vector<256x1xf32> to vector<256x1024xf32>
    %eq3A_623 = arith.cmpf oeq, %select_n3A_618, %eq3A_622 : vector<256x1024xf32>
    %jit3A_624 = arith.constant 1073741824 : i32
    %broadcast_in_dim3A_625 = vector.broadcast %jit3A_624 : i32 to vector<256x1024xi32>
    %select_n3A_626 = arith.select %eq3A_623, %iota3A, %broadcast_in_dim3A_625 : vector<256x1024xi1>, vector<256x1024xi32>
    %reduce_min3A_627 = arith.constant dense<2147483647> : vector<256xi32>
    %reduce_min3A_628 = vector.multi_reduction <minsi>, %select_n3A_626, %reduce_min3A_627 [1] : vector<256x1024xi32> to vector<256xi32>
    %broadcast_in_dim3A_629 = vector.shape_cast %reduce_min3A_628 : vector<256xi32> to vector<256x1xi32>
    %concatenate3A_630 = tpu.concatenate %broadcast_in_dim3A_133, %broadcast_in_dim3A_149, %broadcast_in_dim3A_165, %broadcast_in_dim3A_181, %broadcast_in_dim3A_197, %broadcast_in_dim3A_213, %broadcast_in_dim3A_229, %broadcast_in_dim3A_245, %broadcast_in_dim3A_261, %broadcast_in_dim3A_277, %broadcast_in_dim3A_293, %broadcast_in_dim3A_309, %broadcast_in_dim3A_325, %broadcast_in_dim3A_341, %broadcast_in_dim3A_357, %broadcast_in_dim3A_373, %broadcast_in_dim3A_389, %broadcast_in_dim3A_405, %broadcast_in_dim3A_421, %broadcast_in_dim3A_437, %broadcast_in_dim3A_453, %broadcast_in_dim3A_469, %broadcast_in_dim3A_485, %broadcast_in_dim3A_501, %broadcast_in_dim3A_517, %broadcast_in_dim3A_533, %broadcast_in_dim3A_549, %broadcast_in_dim3A_565, %broadcast_in_dim3A_581, %broadcast_in_dim3A_597, %broadcast_in_dim3A_613, %broadcast_in_dim3A_629 in 1 : vector<256x1xi32>, vector<256x1xi32>, vector<256x1xi32>, vector<256x1xi32>, vector<256x1xi32>, vector<256x1xi32>, vector<256x1xi32>, vector<256x1xi32>, vector<256x1xi32>, vector<256x1xi32>, vector<256x1xi32>, vector<256x1xi32>, vector<256x1xi32>, vector<256x1xi32>, vector<256x1xi32>, vector<256x1xi32>, vector<256x1xi32>, vector<256x1xi32>, vector<256x1xi32>, vector<256x1xi32>, vector<256x1xi32>, vector<256x1xi32>, vector<256x1xi32>, vector<256x1xi32>, vector<256x1xi32>, vector<256x1xi32>, vector<256x1xi32>, vector<256x1xi32>, vector<256x1xi32>, vector<256x1xi32>, vector<256x1xi32>, vector<256x1xi32> -> vector<256x32xi32>
    %swap3A_631 = arith.constant 0 : index
    %swap3A_632 = arith.constant 0 : index
    %swap3A_633 = arith.constant 0 : index
    %swap3A_634 = vector.load %arg9[%swap3A_631, %swap3A_632, %swap3A_633] : memref<1x256x32xi32, #tpu.memory_space<vmem>>, vector<1x256x32xi32>
    %swap3A_635 = vector.shape_cast %swap3A_634 : vector<1x256x32xi32> to vector<256x32xi32>
    %swap3A_636 = vector.shape_cast %concatenate3A_630 : vector<256x32xi32> to vector<1x256x32xi32>
    tpu.vector_store %arg9[%swap3A_631, %swap3A_632, %swap3A_633], %swap3A_636 {strides = array<i32>} : memref<1x256x32xi32, #tpu.memory_space<vmem>>, vector<1x256x32xi32>,
    %mul3A_637 = arith.constant 1024 : i32
    %mul3A_638 = arith.muli %arg0, %mul3A_637 : i32
    %add3A_639 = vector.broadcast %mul3A_638 : i32 to vector<256x32xi32>
    %add3A_640 = arith.addi %concatenate3A_630, %add3A_639 : vector<256x32xi32>
    %swap3A_641 = arith.constant 0 : index
    %swap3A_642 = arith.constant 0 : index
    %swap3A_643 = arith.constant 0 : index
    %swap3A_644 = vector.load %arg10[%swap3A_641, %swap3A_642, %swap3A_643] : memref<1x256x32xi32, #tpu.memory_space<vmem>>, vector<1x256x32xi32>
    %swap3A_645 = vector.shape_cast %swap3A_644 : vector<1x256x32xi32> to vector<256x32xi32>
    %swap3A_646 = vector.shape_cast %add3A_640 : vector<256x32xi32> to vector<1x256x32xi32>
    tpu.vector_store %arg10[%swap3A_641, %swap3A_642, %swap3A_643], %swap3A_646 {strides = array<i32>} : memref<1x256x32xi32, #tpu.memory_space<vmem>>, vector<1x256x32xi32>,
    return
  }
  func.func @transform_0(%arg0: i32, %arg1: i32) -> (i32, i32, i32) {
    %c0_i32 = arith.constant 0 : i32
    %c0_i32_0 = arith.constant 0 : i32
    return %arg0, %arg1, %c0_i32 : i32, i32, i32
  }
  func.func @transform_1(%arg0: i32, %arg1: i32) -> (i32, i32, i32) {
    %c0_i32 = arith.constant 0 : i32
    %c0_i32_0 = arith.constant 0 : i32
    %c0_i32_1 = arith.constant 0 : i32
    return %arg0, %c0_i32, %c0_i32_0 : i32, i32, i32
  }
  func.func @transform_2(%arg0: i32, %arg1: i32) -> (i32, i32, i32) {
    %c0_i32 = arith.constant 0 : i32
    %c0_i32_0 = arith.constant 0 : i32
    return %arg0, %arg1, %c0_i32 : i32, i32, i32
  }
  func.func @transform_3(%arg0: i32, %arg1: i32) -> (i32, i32, i32) {
    %c0_i32 = arith.constant 0 : i32
    %c0_i32_0 = arith.constant 0 : i32
    %c0_i32_1 = arith.constant 0 : i32
    return %arg0, %c0_i32, %c0_i32_0 : i32, i32, i32
  }
  func.func @transform_4(%arg0: i32, %arg1: i32) -> (i32, i32, i32) {
    %c0_i32 = arith.constant 0 : i32
    %c0_i32_0 = arith.constant 0 : i32
    return %arg0, %arg1, %c0_i32 : i32, i32, i32
  }
  func.func @transform_5(%arg0: i32, %arg1: i32) -> (i32, i32, i32) {
    %c0_i32 = arith.constant 0 : i32
    %c0_i32_0 = arith.constant 0 : i32
    return %arg0, %arg1, %c0_i32 : i32, i32, i32
  }
  func.func @transform_6(%arg0: i32, %arg1: i32) -> (i32, i32, i32) {
    %c0_i32 = arith.constant 0 : i32
    %c0_i32_0 = arith.constant 0 : i32
    return %arg0, %arg1, %c0_i32 : i32, i32, i32
  }
  func.func @transform_7(%arg0: i32, %arg1: i32) -> (i32, i32, i32) {
    %c0_i32 = arith.constant 0 : i32
    %c0_i32_0 = arith.constant 0 : i32
    return %arg0, %arg1, %c0_i32 : i32, i32, i32
  }
  func.func @transform_8(%arg0: i32, %arg1: i32) -> (i32, i32, i32) {
    %c0_i32 = arith.constant 0 : i32
    %c0_i32_0 = arith.constant 0 : i32
    return %arg0, %arg1, %c0_i32 : i32, i32, i32
  }
}

module attributes {stable_mosaic.version = 14 : i64} {
  func.func @_feat_kernel(%arg0: i32, %arg1: i32, %arg2: memref<1x1024x32xf32, #tpu.memory_space<vmem>>, %arg3: memref<1x1024x32xf32, #tpu.memory_space<vmem>>, %arg4: memref<66x16xf32, #tpu.memory_space<vmem>>, %arg5: memref<1x16xf32, #tpu.memory_space<vmem>>, %arg6: memref<416x128xf32, #tpu.memory_space<vmem>>, %arg7: memref<1x128xf32, #tpu.memory_space<vmem>>, %arg8: memref<1x128xf32, #tpu.memory_space<vmem>>, %arg9: memref<15x75xf32, #tpu.memory_space<vmem>>, %arg10: memref<15x75xf32, #tpu.memory_space<vmem>>, %arg11: memref<75x25xf32, #tpu.memory_space<vmem>>, %arg12: memref<25x400xf32, #tpu.memory_space<vmem>>, %arg13: memref<1x400xf32, #tpu.memory_space<vmem>>, %arg14: memref<1x1024x128xf32, #tpu.memory_space<vmem>>) attributes {dimension_semantics = [#tpu.dimension_semantics<arbitrary>, #tpu.dimension_semantics<arbitrary>], iteration_bounds = array<i64: 2, 32>, scalar_prefetch = 0 : i64, scratch_operands = 0 : i64, tpu.core_type = #tpu.core_type<tc>, window_params = [{transform_indices = @transform_0, window_bounds = array<i64: 1, 1024, 32>}, {transform_indices = @transform_1, window_bounds = array<i64: 1, 1024, 32>}, {pipeline_mode = #tpu.pipeline_mode<synchronous>, transform_indices = @transform_2, window_bounds = array<i64: 66, 16>}, {pipeline_mode = #tpu.pipeline_mode<synchronous>, transform_indices = @transform_3, window_bounds = array<i64: 1, 16>}, {pipeline_mode = #tpu.pipeline_mode<synchronous>, transform_indices = @transform_4, window_bounds = array<i64: 416, 128>}, {pipeline_mode = #tpu.pipeline_mode<synchronous>, transform_indices = @transform_5, window_bounds = array<i64: 1, 128>}, {pipeline_mode = #tpu.pipeline_mode<synchronous>, transform_indices = @transform_6, window_bounds = array<i64: 1, 128>}, {pipeline_mode = #tpu.pipeline_mode<synchronous>, transform_indices = @transform_7, window_bounds = array<i64: 15, 75>}, {pipeline_mode = #tpu.pipeline_mode<synchronous>, transform_indices = @transform_8, window_bounds = array<i64: 15, 75>}, {pipeline_mode = #tpu.pipeline_mode<synchronous>, transform_indices = @transform_9, window_bounds = array<i64: 75, 25>}, {pipeline_mode = #tpu.pipeline_mode<synchronous>, transform_indices = @transform_10, window_bounds = array<i64: 25, 400>}, {pipeline_mode = #tpu.pipeline_mode<synchronous>, transform_indices = @transform_11, window_bounds = array<i64: 1, 400>}, {transform_indices = @transform_12, window_bounds = array<i64: 1, 1024, 128>}]} {
    %get3A = arith.constant 0 : index
    %get3A_0 = arith.constant 0 : index
    %get3A_1 = arith.constant 0 : index
    %get3A_2 = vector.load %arg2[%get3A, %get3A_0, %get3A_1] : memref<1x1024x32xf32, #tpu.memory_space<vmem>>, vector<1x1024x32xf32>
    %get3A_3 = vector.shape_cast %get3A_2 : vector<1x1024x32xf32> to vector<1024x32xf32>
    %mul3A = arith.constant 32 : i32
    %mul3A_4 = arith.muli %arg1, %mul3A : i32
    %get3A_5 = arith.constant 0 : index
    %get3A_6 = arith.index_cast %mul3A_4 : i32 to index
    %get3A_7 = arith.constant 0 : index
    %get3A_8 = vector.load %arg3[%get3A_5, %get3A_6, %get3A_7] : memref<1x1024x32xf32, #tpu.memory_space<vmem>>, vector<1x32x32xf32>
    %get3A_9 = vector.shape_cast %get3A_8 : vector<1x32x32xf32> to vector<32x32xf32>
    %iota3A = tpu.iota {dimensions = array<i32: 0>} : vector<1024x32xi32>
    %jit3A = arith.constant 32 : i32
    %div3A = vector.broadcast %jit3A : i32 to vector<1024x32xi32>
    %div3A_10 = arith.divsi %iota3A, %div3A : vector<1024x32xi32>
    %sign3A = arith.constant 0 : i32
    %sign3A_11 = vector.broadcast %sign3A : i32 to vector<1024x32xi32>
    %sign3A_12 = arith.cmpi sgt, %iota3A, %sign3A_11 : vector<1024x32xi32>
    %sign3A_13 = arith.extui %sign3A_12 : vector<1024x32xi1> to vector<1024x32xi32>
    %sign3A_14 = arith.constant 0 : i32
    %sign3A_15 = vector.broadcast %sign3A_14 : i32 to vector<1024x32xi32>
    %sign3A_16 = arith.cmpi slt, %iota3A, %sign3A_15 : vector<1024x32xi32>
    %sign3A_17 = arith.extui %sign3A_16 : vector<1024x32xi1> to vector<1024x32xi32>
    %sign3A_18 = arith.subi %sign3A_13, %sign3A_17 : vector<1024x32xi32>
    %sign3A_19 = arith.constant 0 : i32
    %sign3A_20 = arith.cmpi sgt, %jit3A, %sign3A_19 : i32
    %sign3A_21 = arith.extui %sign3A_20 : i1 to i32
    %sign3A_22 = arith.constant 0 : i32
    %sign3A_23 = arith.cmpi slt, %jit3A, %sign3A_22 : i32
    %sign3A_24 = arith.extui %sign3A_23 : i1 to i32
    %sign3A_25 = arith.subi %sign3A_21, %sign3A_24 : i32
    %ne3A = vector.broadcast %sign3A_25 : i32 to vector<1024x32xi32>
    %ne3A_26 = arith.cmpi ne, %sign3A_18, %ne3A : vector<1024x32xi32>
    %rem3A = vector.broadcast %jit3A : i32 to vector<1024x32xi32>
    %rem3A_27 = arith.remsi %iota3A, %rem3A : vector<1024x32xi32>
    %ne3A_28 = arith.constant 0 : i32
    %ne3A_29 = vector.broadcast %ne3A_28 : i32 to vector<1024x32xi32>
    %ne3A_30 = arith.cmpi ne, %rem3A_27, %ne3A_29 : vector<1024x32xi32>
    %and3A = arith.andi %ne3A_26, %ne3A_30 : vector<1024x32xi1>
    %sub3A = arith.constant 1 : i32
    %sub3A_31 = vector.broadcast %sub3A : i32 to vector<1024x32xi32>
    %sub3A_32 = arith.subi %div3A_10, %sub3A_31 : vector<1024x32xi32>
    %select_n3A = arith.select %and3A, %sub3A_32, %div3A_10 : vector<1024x32xi1>, vector<1024x32xi32>
    %iota3A_33 = tpu.iota {dimensions = array<i32: 1>} : vector<1024x32xi32>
    %eq3A = arith.cmpi eq, %select_n3A, %iota3A_33 : vector<1024x32xi32>
    %convert_element_type3A = arith.extui %eq3A : vector<1024x32xi1> to vector<1024x32xi32>
    %convert_element_type3A_34 = arith.sitofp %convert_element_type3A : vector<1024x32xi32> to vector<1024x32xf32>
    %convert_element_type3A_35 = arith.truncf %convert_element_type3A_34 : vector<1024x32xf32> to vector<1024x32xbf16>
    %convert_element_type3A_36 = arith.truncf %get3A_9 : vector<32x32xf32> to vector<32x32xbf16>
    %convert_element_type3A_37 = arith.extf %convert_element_type3A_36 : vector<32x32xbf16> to vector<32x32xf32>
    %sub3A_38 = arith.subf %get3A_9, %convert_element_type3A_37 : vector<32x32xf32>
    %convert_element_type3A_39 = arith.truncf %sub3A_38 : vector<32x32xf32> to vector<32x32xbf16>
    %dot_general3A = arith.constant dense<0.000000e+00> : vector<1024x32xf32>
    %dot_general3A_40 = tpu.matmul %convert_element_type3A_35, %convert_element_type3A_36, %dot_general3A {dimension_numbers = #tpu.dot_dimension_numbers<[1], [0], [0], [1], [0, 0, 1, 1], [], []>, transpose_lhs_hint = false} : vector<1024x32xbf16>, vector<32x32xbf16>, vector<1024x32xf32> -> vector<1024x32xf32>
    %dot_general3A_41 = arith.constant dense<0.000000e+00> : vector<1024x32xf32>
    %dot_general3A_42 = tpu.matmul %convert_element_type3A_35, %convert_element_type3A_39, %dot_general3A_41 {dimension_numbers = #tpu.dot_dimension_numbers<[1], [0], [0], [1], [0, 0, 1, 1], [], []>, transpose_lhs_hint = false} : vector<1024x32xbf16>, vector<32x32xbf16>, vector<1024x32xf32> -> vector<1024x32xf32>
    %add3A = arith.addf %dot_general3A_40, %dot_general3A_42 : vector<1024x32xf32>
    %slice3A = vector.extract_strided_slice %add3A {offsets = [0, 0], sizes = [1024, 15], strides = [1, 1]} : vector<1024x32xf32> to vector<1024x15xf32>
    %slice3A_43 = vector.extract_strided_slice %get3A_3 {offsets = [0, 0], sizes = [1024, 15], strides = [1, 1]} : vector<1024x32xf32> to vector<1024x15xf32>
    %slice3A_44 = vector.extract_strided_slice %add3A {offsets = [0, 15], sizes = [1024, 1], strides = [1, 1]} : vector<1024x32xf32> to vector<1024x1xf32>
    %round3A = math.roundeven %slice3A_44 : vector<1024x1xf32>
    %slice3A_45 = vector.extract_strided_slice %get3A_3 {offsets = [0, 15], sizes = [1024, 1], strides = [1, 1]} : vector<1024x32xf32> to vector<1024x1xf32>
    %slice3A_46 = vector.extract_strided_slice %add3A {offsets = [0, 16], sizes = [1024, 1], strides = [1, 1]} : vector<1024x32xf32> to vector<1024x1xf32>
    %round3A_47 = math.roundeven %slice3A_46 : vector<1024x1xf32>
    %slice3A_48 = vector.extract_strided_slice %get3A_3 {offsets = [0, 16], sizes = [1024, 1], strides = [1, 1]} : vector<1024x32xf32> to vector<1024x1xf32>
    %get3A_49 = arith.constant 0 : index
    %get3A_50 = arith.constant 0 : index
    %get3A_51 = vector.load %arg9[%get3A_49, %get3A_50] : memref<15x75xf32, #tpu.memory_space<vmem>>, vector<15x75xf32>
    %convert_element_type3A_52 = arith.truncf %slice3A : vector<1024x15xf32> to vector<1024x15xbf16>
    %convert_element_type3A_53 = arith.extf %convert_element_type3A_52 : vector<1024x15xbf16> to vector<1024x15xf32>
    %sub3A_54 = arith.subf %slice3A, %convert_element_type3A_53 : vector<1024x15xf32>
    %convert_element_type3A_55 = arith.truncf %sub3A_54 : vector<1024x15xf32> to vector<1024x15xbf16>
    %convert_element_type3A_56 = arith.truncf %get3A_51 : vector<15x75xf32> to vector<15x75xbf16>
    %dot_general3A_57 = arith.constant dense<0.000000e+00> : vector<1024x75xf32>
    %dot_general3A_58 = tpu.matmul %convert_element_type3A_52, %convert_element_type3A_56, %dot_general3A_57 {dimension_numbers = #tpu.dot_dimension_numbers<[1], [0], [0], [1], [0, 0, 1, 1], [], []>, transpose_lhs_hint = false} : vector<1024x15xbf16>, vector<15x75xbf16>, vector<1024x75xf32> -> vector<1024x75xf32>
    %dot_general3A_59 = arith.constant dense<0.000000e+00> : vector<1024x75xf32>
    %dot_general3A_60 = tpu.matmul %convert_element_type3A_55, %convert_element_type3A_56, %dot_general3A_59 {dimension_numbers = #tpu.dot_dimension_numbers<[1], [0], [0], [1], [0, 0, 1, 1], [], []>, transpose_lhs_hint = false} : vector<1024x15xbf16>, vector<15x75xbf16>, vector<1024x75xf32> -> vector<1024x75xf32>
    %add3A_61 = arith.addf %dot_general3A_58, %dot_general3A_60 : vector<1024x75xf32>
    %get3A_62 = arith.constant 0 : index
    %get3A_63 = arith.constant 0 : index
    %get3A_64 = vector.load %arg10[%get3A_62, %get3A_63] : memref<15x75xf32, #tpu.memory_space<vmem>>, vector<15x75xf32>
    %convert_element_type3A_65 = arith.truncf %slice3A_43 : vector<1024x15xf32> to vector<1024x15xbf16>
    %convert_element_type3A_66 = arith.extf %convert_element_type3A_65 : vector<1024x15xbf16> to vector<1024x15xf32>
    %sub3A_67 = arith.subf %slice3A_43, %convert_element_type3A_66 : vector<1024x15xf32>
    %convert_element_type3A_68 = arith.truncf %sub3A_67 : vector<1024x15xf32> to vector<1024x15xbf16>
    %convert_element_type3A_69 = arith.truncf %get3A_64 : vector<15x75xf32> to vector<15x75xbf16>
    %dot_general3A_70 = arith.constant dense<0.000000e+00> : vector<1024x75xf32>
    %dot_general3A_71 = tpu.matmul %convert_element_type3A_65, %convert_element_type3A_69, %dot_general3A_70 {dimension_numbers = #tpu.dot_dimension_numbers<[1], [0], [0], [1], [0, 0, 1, 1], [], []>, transpose_lhs_hint = false} : vector<1024x15xbf16>, vector<15x75xbf16>, vector<1024x75xf32> -> vector<1024x75xf32>
    %dot_general3A_72 = arith.constant dense<0.000000e+00> : vector<1024x75xf32>
    %dot_general3A_73 = tpu.matmul %convert_element_type3A_68, %convert_element_type3A_69, %dot_general3A_72 {dimension_numbers = #tpu.dot_dimension_numbers<[1], [0], [0], [1], [0, 0, 1, 1], [], []>, transpose_lhs_hint = false} : vector<1024x15xbf16>, vector<15x75xbf16>, vector<1024x75xf32> -> vector<1024x75xf32>
    %add3A_74 = arith.addf %dot_general3A_71, %dot_general3A_73 : vector<1024x75xf32>
    %sub3A_75 = arith.subf %add3A_61, %add3A_74 : vector<1024x75xf32>
    %mul3A_76 = arith.mulf %sub3A_75, %sub3A_75 : vector<1024x75xf32>
    %get3A_77 = arith.constant 0 : index
    %get3A_78 = arith.constant 0 : index
    %get3A_79 = vector.load %arg11[%get3A_77, %get3A_78] : memref<75x25xf32, #tpu.memory_space<vmem>>, vector<75x25xf32>
    %convert_element_type3A_80 = arith.truncf %mul3A_76 : vector<1024x75xf32> to vector<1024x75xbf16>
    %convert_element_type3A_81 = arith.extf %convert_element_type3A_80 : vector<1024x75xbf16> to vector<1024x75xf32>
    %sub3A_82 = arith.subf %mul3A_76, %convert_element_type3A_81 : vector<1024x75xf32>
    %convert_element_type3A_83 = arith.truncf %sub3A_82 : vector<1024x75xf32> to vector<1024x75xbf16>
    %convert_element_type3A_84 = arith.truncf %get3A_79 : vector<75x25xf32> to vector<75x25xbf16>
    %dot_general3A_85 = arith.constant dense<0.000000e+00> : vector<1024x25xf32>
    %dot_general3A_86 = tpu.matmul %convert_element_type3A_80, %convert_element_type3A_84, %dot_general3A_85 {dimension_numbers = #tpu.dot_dimension_numbers<[1], [0], [0], [1], [0, 0, 1, 1], [], []>, transpose_lhs_hint = false} : vector<1024x75xbf16>, vector<75x25xbf16>, vector<1024x25xf32> -> vector<1024x25xf32>
    %dot_general3A_87 = arith.constant dense<0.000000e+00> : vector<1024x25xf32>
    %dot_general3A_88 = tpu.matmul %convert_element_type3A_83, %convert_element_type3A_84, %dot_general3A_87 {dimension_numbers = #tpu.dot_dimension_numbers<[1], [0], [0], [1], [0, 0, 1, 1], [], []>, transpose_lhs_hint = false} : vector<1024x75xbf16>, vector<75x25xbf16>, vector<1024x25xf32> -> vector<1024x25xf32>
    %add3A_89 = arith.addf %dot_general3A_86, %dot_general3A_88 : vector<1024x25xf32>
    %add3A_90 = arith.constant 9.99999997E-7 : f32
    %add3A_91 = vector.broadcast %add3A_90 : f32 to vector<1024x25xf32>
    %add3A_92 = arith.addf %add3A_89, %add3A_91 : vector<1024x25xf32>
    %sqrt3A = math.sqrt %add3A_92 : vector<1024x25xf32>
    %get3A_93 = arith.constant 0 : index
    %get3A_94 = arith.constant 0 : index
    %get3A_95 = vector.load %arg12[%get3A_93, %get3A_94] : memref<25x400xf32, #tpu.memory_space<vmem>>, vector<25x400xf32>
    %convert_element_type3A_96 = arith.truncf %sqrt3A : vector<1024x25xf32> to vector<1024x25xbf16>
    %convert_element_type3A_97 = arith.extf %convert_element_type3A_96 : vector<1024x25xbf16> to vector<1024x25xf32>
    %sub3A_98 = arith.subf %sqrt3A, %convert_element_type3A_97 : vector<1024x25xf32>
    %convert_element_type3A_99 = arith.truncf %sub3A_98 : vector<1024x25xf32> to vector<1024x25xbf16>
    %convert_element_type3A_100 = arith.truncf %get3A_95 : vector<25x400xf32> to vector<25x400xbf16>
    %dot_general3A_101 = arith.constant dense<0.000000e+00> : vector<1024x400xf32>
    %dot_general3A_102 = tpu.matmul %convert_element_type3A_96, %convert_element_type3A_100, %dot_general3A_101 {dimension_numbers = #tpu.dot_dimension_numbers<[1], [0], [0], [1], [0, 0, 1, 1], [], []>, transpose_lhs_hint = false} : vector<1024x25xbf16>, vector<25x400xbf16>, vector<1024x400xf32> -> vector<1024x400xf32>
    %dot_general3A_103 = arith.constant dense<0.000000e+00> : vector<1024x400xf32>
    %dot_general3A_104 = tpu.matmul %convert_element_type3A_99, %convert_element_type3A_100, %dot_general3A_103 {dimension_numbers = #tpu.dot_dimension_numbers<[1], [0], [0], [1], [0, 0, 1, 1], [], []>, transpose_lhs_hint = false} : vector<1024x25xbf16>, vector<25x400xbf16>, vector<1024x400xf32> -> vector<1024x400xf32>
    %add3A_105 = arith.addf %dot_general3A_102, %dot_general3A_104 : vector<1024x400xf32>
    %get3A_106 = arith.constant 0 : index
    %get3A_107 = arith.constant 0 : index
    %get3A_108 = vector.load %arg13[%get3A_106, %get3A_107] : memref<1x400xf32, #tpu.memory_space<vmem>>, vector<1x400xf32>
    %sub3A_109 = vector.broadcast %get3A_108 : vector<1x400xf32> to vector<1024x400xf32>
    %sub3A_110 = arith.subf %add3A_105, %sub3A_109 : vector<1024x400xf32>
    %mul3A_111 = arith.constant 8.000000e-01 : f32
    %mul3A_112 = vector.broadcast %mul3A_111 : f32 to vector<1024x400xf32>
    %mul3A_113 = arith.mulf %sub3A_110, %mul3A_112 : vector<1024x400xf32>
    %mul3A_114 = arith.mulf %mul3A_113, %mul3A_113 : vector<1024x400xf32>
    %neg3A = arith.constant 0.000000e+00 : f32
    %neg3A_115 = vector.broadcast %neg3A : f32 to vector<1024x400xf32>
    %neg3A_116 = arith.subf %neg3A_115, %mul3A_114 : vector<1024x400xf32>
    %exp3A = math.exp %neg3A_116 : vector<1024x400xf32>
    %sub3A_117 = arith.subf %round3A_47, %slice3A_48 : vector<1024x1xf32>
    %abs3A = math.absf %sub3A_117 : vector<1024x1xf32>
    %lt3A = arith.constant 5.000000e-01 : f32
    %lt3A_118 = vector.broadcast %lt3A : f32 to vector<1024x1xf32>
    %lt3A_119 = arith.cmpf olt, %abs3A, %lt3A_118 : vector<1024x1xf32>
    %convert_element_type3A_120 = arith.extui %lt3A_119 : vector<1024x1xi1> to vector<1024x1xi32>
    %convert_element_type3A_121 = arith.sitofp %convert_element_type3A_120 : vector<1024x1xi32> to vector<1024x1xf32>
    %sub3A_122 = arith.subf %round3A, %slice3A_45 : vector<1024x1xf32>
    %add3A_123 = arith.constant 3.200000e+01 : f32
    %add3A_124 = vector.broadcast %add3A_123 : f32 to vector<1024x1xf32>
    %add3A_125 = arith.addf %sub3A_122, %add3A_124 : vector<1024x1xf32>
    %jit3A_126 = arith.constant 0.000000e+00 : f32
    %jit3A_127 = arith.constant 6.400000e+01 : f32
    %max3A = vector.broadcast %jit3A_126 : f32 to vector<1024x1xf32>
    %max3A_128 = arith.maximumf %max3A, %add3A_125 : vector<1024x1xf32>
    %min3A = vector.broadcast %jit3A_127 : f32 to vector<1024x1xf32>
    %min3A_129 = arith.minimumf %min3A, %max3A_128 : vector<1024x1xf32>
    %mul3A_130 = arith.mulf %min3A_129, %convert_element_type3A_121 : vector<1024x1xf32>
    %sub3A_131 = arith.constant 1.000000e+00 : f32
    %sub3A_132 = vector.broadcast %sub3A_131 : f32 to vector<1024x1xf32>
    %sub3A_133 = arith.subf %sub3A_132, %convert_element_type3A_121 : vector<1024x1xf32>
    %mul3A_134 = arith.constant 6.500000e+01 : f32
    %mul3A_135 = vector.broadcast %mul3A_134 : f32 to vector<1024x1xf32>
    %mul3A_136 = arith.mulf %sub3A_133, %mul3A_135 : vector<1024x1xf32>
    %add3A_137 = arith.addf %mul3A_130, %mul3A_136 : vector<1024x1xf32>
    %iota3A_138 = tpu.iota {dimensions = array<i32: 1>} : vector<1024x66xi32>
    %convert_element_type3A_139 = arith.sitofp %iota3A_138 : vector<1024x66xi32> to vector<1024x66xf32>
    %eq3A_140 = vector.broadcast %add3A_137 : vector<1024x1xf32> to vector<1024x66xf32>
    %eq3A_141 = arith.cmpf oeq, %convert_element_type3A_139, %eq3A_140 : vector<1024x66xf32>
    %convert_element_type3A_142 = arith.extui %eq3A_141 : vector<1024x66xi1> to vector<1024x66xi32>
    %convert_element_type3A_143 = arith.sitofp %convert_element_type3A_142 : vector<1024x66xi32> to vector<1024x66xf32>
    %convert_element_type3A_144 = arith.truncf %convert_element_type3A_143 : vector<1024x66xf32> to vector<1024x66xbf16>
    %get3A_145 = arith.constant 0 : index
    %get3A_146 = arith.constant 0 : index
    %get3A_147 = vector.load %arg4[%get3A_145, %get3A_146] : memref<66x16xf32, #tpu.memory_space<vmem>>, vector<66x16xf32>
    %convert_element_type3A_148 = arith.truncf %get3A_147 : vector<66x16xf32> to vector<66x16xbf16>
    %convert_element_type3A_149 = arith.extf %convert_element_type3A_148 : vector<66x16xbf16> to vector<66x16xf32>
    %sub3A_150 = arith.subf %get3A_147, %convert_element_type3A_149 : vector<66x16xf32>
    %convert_element_type3A_151 = arith.truncf %sub3A_150 : vector<66x16xf32> to vector<66x16xbf16>
    %dot_general3A_152 = arith.constant dense<0.000000e+00> : vector<1024x16xf32>
    %dot_general3A_153 = tpu.matmul %convert_element_type3A_144, %convert_element_type3A_148, %dot_general3A_152 {dimension_numbers = #tpu.dot_dimension_numbers<[1], [0], [0], [1], [0, 0, 1, 1], [], []>, transpose_lhs_hint = false} : vector<1024x66xbf16>, vector<66x16xbf16>, vector<1024x16xf32> -> vector<1024x16xf32>
    %dot_general3A_154 = arith.constant dense<0.000000e+00> : vector<1024x16xf32>
    %dot_general3A_155 = tpu.matmul %convert_element_type3A_144, %convert_element_type3A_151, %dot_general3A_154 {dimension_numbers = #tpu.dot_dimension_numbers<[1], [0], [0], [1], [0, 0, 1, 1], [], []>, transpose_lhs_hint = false} : vector<1024x66xbf16>, vector<66x16xbf16>, vector<1024x16xf32> -> vector<1024x16xf32>
    %add3A_156 = arith.addf %dot_general3A_153, %dot_general3A_155 : vector<1024x16xf32>
    %get3A_157 = arith.constant 0 : index
    %get3A_158 = arith.constant 0 : index
    %get3A_159 = vector.load %arg5[%get3A_157, %get3A_158] : memref<1x16xf32, #tpu.memory_space<vmem>>, vector<1x16xf32>
    %add3A_160 = vector.broadcast %get3A_159 : vector<1x16xf32> to vector<1024x16xf32>
    %add3A_161 = arith.addf %add3A_156, %add3A_160 : vector<1024x16xf32>
    %get3A_162 = arith.constant 0 : index
    %get3A_163 = arith.constant 0 : index
    %get3A_164 = vector.load %arg6[%get3A_162, %get3A_163] : memref<416x128xf32, #tpu.memory_space<vmem>>, vector<416x128xf32>
    %slice3A_165 = vector.extract_strided_slice %get3A_164 {offsets = [0, 0], sizes = [16, 128], strides = [1, 1]} : vector<416x128xf32> to vector<16x128xf32>
    %convert_element_type3A_166 = arith.truncf %add3A_161 : vector<1024x16xf32> to vector<1024x16xbf16>
    %convert_element_type3A_167 = arith.extf %convert_element_type3A_166 : vector<1024x16xbf16> to vector<1024x16xf32>
    %sub3A_168 = arith.subf %add3A_161, %convert_element_type3A_167 : vector<1024x16xf32>
    %convert_element_type3A_169 = arith.truncf %sub3A_168 : vector<1024x16xf32> to vector<1024x16xbf16>
    %convert_element_type3A_170 = arith.truncf %slice3A_165 : vector<16x128xf32> to vector<16x128xbf16>
    %convert_element_type3A_171 = arith.extf %convert_element_type3A_170 : vector<16x128xbf16> to vector<16x128xf32>
    %sub3A_172 = arith.subf %slice3A_165, %convert_element_type3A_171 : vector<16x128xf32>
    %convert_element_type3A_173 = arith.truncf %sub3A_172 : vector<16x128xf32> to vector<16x128xbf16>
    %dot_general3A_174 = arith.constant dense<0.000000e+00> : vector<1024x128xf32>
    %dot_general3A_175 = tpu.matmul %convert_element_type3A_166, %convert_element_type3A_170, %dot_general3A_174 {dimension_numbers = #tpu.dot_dimension_numbers<[1], [0], [0], [1], [0, 0, 1, 1], [], []>, transpose_lhs_hint = false} : vector<1024x16xbf16>, vector<16x128xbf16>, vector<1024x128xf32> -> vector<1024x128xf32>
    %dot_general3A_176 = arith.constant dense<0.000000e+00> : vector<1024x128xf32>
    %dot_general3A_177 = tpu.matmul %convert_element_type3A_169, %convert_element_type3A_170, %dot_general3A_176 {dimension_numbers = #tpu.dot_dimension_numbers<[1], [0], [0], [1], [0, 0, 1, 1], [], []>, transpose_lhs_hint = false} : vector<1024x16xbf16>, vector<16x128xbf16>, vector<1024x128xf32> -> vector<1024x128xf32>
    %add3A_178 = arith.addf %dot_general3A_175, %dot_general3A_177 : vector<1024x128xf32>
    %dot_general3A_179 = arith.constant dense<0.000000e+00> : vector<1024x128xf32>
    %dot_general3A_180 = tpu.matmul %convert_element_type3A_166, %convert_element_type3A_173, %dot_general3A_179 {dimension_numbers = #tpu.dot_dimension_numbers<[1], [0], [0], [1], [0, 0, 1, 1], [], []>, transpose_lhs_hint = false} : vector<1024x16xbf16>, vector<16x128xbf16>, vector<1024x128xf32> -> vector<1024x128xf32>
    %add3A_181 = arith.addf %add3A_178, %dot_general3A_180 : vector<1024x128xf32>
    %slice3A_182 = vector.extract_strided_slice %get3A_164 {offsets = [16, 0], sizes = [400, 128], strides = [1, 1]} : vector<416x128xf32> to vector<400x128xf32>
    %convert_element_type3A_183 = arith.truncf %exp3A : vector<1024x400xf32> to vector<1024x400xbf16>
    %convert_element_type3A_184 = arith.extf %convert_element_type3A_183 : vector<1024x400xbf16> to vector<1024x400xf32>
    %sub3A_185 = arith.subf %exp3A, %convert_element_type3A_184 : vector<1024x400xf32>
    %convert_element_type3A_186 = arith.truncf %sub3A_185 : vector<1024x400xf32> to vector<1024x400xbf16>
    %convert_element_type3A_187 = arith.truncf %slice3A_182 : vector<400x128xf32> to vector<400x128xbf16>
    %convert_element_type3A_188 = arith.extf %convert_element_type3A_187 : vector<400x128xbf16> to vector<400x128xf32>
    %sub3A_189 = arith.subf %slice3A_182, %convert_element_type3A_188 : vector<400x128xf32>
    %convert_element_type3A_190 = arith.truncf %sub3A_189 : vector<400x128xf32> to vector<400x128xbf16>
    %dot_general3A_191 = arith.constant dense<0.000000e+00> : vector<1024x128xf32>
    %dot_general3A_192 = tpu.matmul %convert_element_type3A_183, %convert_element_type3A_187, %dot_general3A_191 {dimension_numbers = #tpu.dot_dimension_numbers<[1], [0], [0], [1], [0, 0, 1, 1], [], []>, transpose_lhs_hint = false} : vector<1024x400xbf16>, vector<400x128xbf16>, vector<1024x128xf32> -> vector<1024x128xf32>
    %dot_general3A_193 = arith.constant dense<0.000000e+00> : vector<1024x128xf32>
    %dot_general3A_194 = tpu.matmul %convert_element_type3A_186, %convert_element_type3A_187, %dot_general3A_193 {dimension_numbers = #tpu.dot_dimension_numbers<[1], [0], [0], [1], [0, 0, 1, 1], [], []>, transpose_lhs_hint = false} : vector<1024x400xbf16>, vector<400x128xbf16>, vector<1024x128xf32> -> vector<1024x128xf32>
    %add3A_195 = arith.addf %dot_general3A_192, %dot_general3A_194 : vector<1024x128xf32>
    %dot_general3A_196 = arith.constant dense<0.000000e+00> : vector<1024x128xf32>
    %dot_general3A_197 = tpu.matmul %convert_element_type3A_183, %convert_element_type3A_190, %dot_general3A_196 {dimension_numbers = #tpu.dot_dimension_numbers<[1], [0], [0], [1], [0, 0, 1, 1], [], []>, transpose_lhs_hint = false} : vector<1024x400xbf16>, vector<400x128xbf16>, vector<1024x128xf32> -> vector<1024x128xf32>
    %add3A_198 = arith.addf %add3A_195, %dot_general3A_197 : vector<1024x128xf32>
    %add3A_199 = arith.addf %add3A_181, %add3A_198 : vector<1024x128xf32>
    %reduce_sum3A = arith.constant dense<0.000000e+00> : vector<1024xf32>
    %reduce_sum3A_200 = vector.multi_reduction <add>, %add3A_199, %reduce_sum3A [1] : vector<1024x128xf32> to vector<1024xf32>
    %broadcast_in_dim3A = vector.shape_cast %reduce_sum3A_200 : vector<1024xf32> to vector<1024x1xf32>
    %div3A_201 = arith.constant 1.280000e+02 : f32
    %div3A_202 = vector.broadcast %div3A_201 : f32 to vector<1024x1xf32>
    %div3A_203 = arith.divf %broadcast_in_dim3A, %div3A_202 : vector<1024x1xf32>
    %sub3A_204 = vector.broadcast %div3A_203 : vector<1024x1xf32> to vector<1024x128xf32>
    %sub3A_205 = arith.subf %add3A_199, %sub3A_204 : vector<1024x128xf32>
    %mul3A_206 = arith.mulf %sub3A_205, %sub3A_205 : vector<1024x128xf32>
    %reduce_sum3A_207 = arith.constant dense<0.000000e+00> : vector<1024xf32>
    %reduce_sum3A_208 = vector.multi_reduction <add>, %mul3A_206, %reduce_sum3A_207 [1] : vector<1024x128xf32> to vector<1024xf32>
    %broadcast_in_dim3A_209 = vector.shape_cast %reduce_sum3A_208 : vector<1024xf32> to vector<1024x1xf32>
    %div3A_210 = arith.constant 1.280000e+02 : f32
    %div3A_211 = vector.broadcast %div3A_210 : f32 to vector<1024x1xf32>
    %div3A_212 = arith.divf %broadcast_in_dim3A_209, %div3A_211 : vector<1024x1xf32>
    %add3A_213 = arith.constant 9.99999974E-6 : f32
    %add3A_214 = vector.broadcast %add3A_213 : f32 to vector<1024x1xf32>
    %add3A_215 = arith.addf %div3A_212, %add3A_214 : vector<1024x1xf32>
    %sqrt3A_216 = math.sqrt %add3A_215 : vector<1024x1xf32>
    %div3A_217 = vector.broadcast %sqrt3A_216 : vector<1024x1xf32> to vector<1024x128xf32>
    %div3A_218 = arith.divf %sub3A_205, %div3A_217 : vector<1024x128xf32>
    %get3A_219 = arith.constant 0 : index
    %get3A_220 = arith.constant 0 : index
    %get3A_221 = vector.load %arg7[%get3A_219, %get3A_220] : memref<1x128xf32, #tpu.memory_space<vmem>>, vector<1x128xf32>
    %mul3A_222 = vector.broadcast %get3A_221 : vector<1x128xf32> to vector<1024x128xf32>
    %mul3A_223 = arith.mulf %div3A_218, %mul3A_222 : vector<1024x128xf32>
    %get3A_224 = arith.constant 0 : index
    %get3A_225 = arith.constant 0 : index
    %get3A_226 = vector.load %arg8[%get3A_224, %get3A_225] : memref<1x128xf32, #tpu.memory_space<vmem>>, vector<1x128xf32>
    %add3A_227 = vector.broadcast %get3A_226 : vector<1x128xf32> to vector<1024x128xf32>
    %add3A_228 = arith.addf %mul3A_223, %add3A_227 : vector<1024x128xf32>
    %swap3A = arith.constant 0 : index
    %swap3A_229 = arith.constant 0 : index
    %swap3A_230 = arith.constant 0 : index
    %swap3A_231 = vector.load %arg14[%swap3A, %swap3A_229, %swap3A_230] : memref<1x1024x128xf32, #tpu.memory_space<vmem>>, vector<1x1024x128xf32>
    %swap3A_232 = vector.shape_cast %swap3A_231 : vector<1x1024x128xf32> to vector<1024x128xf32>
    %swap3A_233 = vector.shape_cast %add3A_228 : vector<1024x128xf32> to vector<1x1024x128xf32>
    tpu.vector_store %arg14[%swap3A, %swap3A_229, %swap3A_230], %swap3A_233 {strides = array<i32>} : memref<1x1024x128xf32, #tpu.memory_space<vmem>>, vector<1x1024x128xf32>,
    return
  }
  func.func @transform_0(%arg0: i32, %arg1: i32) -> (i32, i32, i32) {
    %c0_i32 = arith.constant 0 : i32
    %c0_i32_0 = arith.constant 0 : i32
    return %arg0, %arg1, %c0_i32 : i32, i32, i32
  }
  func.func @transform_1(%arg0: i32, %arg1: i32) -> (i32, i32, i32) {
    %c0_i32 = arith.constant 0 : i32
    %c0_i32_0 = arith.constant 0 : i32
    %c0_i32_1 = arith.constant 0 : i32
    return %arg0, %c0_i32, %c0_i32_0 : i32, i32, i32
  }
  func.func @transform_2(%arg0: i32, %arg1: i32) -> (i32, i32) {
    %c0_i32 = arith.constant 0 : i32
    %c0_i32_0 = arith.constant 0 : i32
    %c0_i32_1 = arith.constant 0 : i32
    return %c0_i32, %c0_i32_0 : i32, i32
  }
  func.func @transform_3(%arg0: i32, %arg1: i32) -> (i32, i32) {
    %c0_i32 = arith.constant 0 : i32
    %c0_i32_0 = arith.constant 0 : i32
    %c0_i32_1 = arith.constant 0 : i32
    return %c0_i32, %c0_i32_0 : i32, i32
  }
  func.func @transform_4(%arg0: i32, %arg1: i32) -> (i32, i32) {
    %c0_i32 = arith.constant 0 : i32
    %c0_i32_0 = arith.constant 0 : i32
    %c0_i32_1 = arith.constant 0 : i32
    return %c0_i32, %c0_i32_0 : i32, i32
  }
  func.func @transform_5(%arg0: i32, %arg1: i32) -> (i32, i32) {
    %c0_i32 = arith.constant 0 : i32
    %c0_i32_0 = arith.constant 0 : i32
    %c0_i32_1 = arith.constant 0 : i32
    return %c0_i32, %c0_i32_0 : i32, i32
  }
  func.func @transform_6(%arg0: i32, %arg1: i32) -> (i32, i32) {
    %c0_i32 = arith.constant 0 : i32
    %c0_i32_0 = arith.constant 0 : i32
    %c0_i32_1 = arith.constant 0 : i32
    return %c0_i32, %c0_i32_0 : i32, i32
  }
  func.func @transform_7(%arg0: i32, %arg1: i32) -> (i32, i32) {
    %c0_i32 = arith.constant 0 : i32
    %c0_i32_0 = arith.constant 0 : i32
    %c0_i32_1 = arith.constant 0 : i32
    return %c0_i32, %c0_i32_0 : i32, i32
  }
  func.func @transform_8(%arg0: i32, %arg1: i32) -> (i32, i32) {
    %c0_i32 = arith.constant 0 : i32
    %c0_i32_0 = arith.constant 0 : i32
    %c0_i32_1 = arith.constant 0 : i32
    return %c0_i32, %c0_i32_0 : i32, i32
  }
  func.func @transform_9(%arg0: i32, %arg1: i32) -> (i32, i32) {
    %c0_i32 = arith.constant 0 : i32
    %c0_i32_0 = arith.constant 0 : i32
    %c0_i32_1 = arith.constant 0 : i32
    return %c0_i32, %c0_i32_0 : i32, i32
  }
  func.func @transform_10(%arg0: i32, %arg1: i32) -> (i32, i32) {
    %c0_i32 = arith.constant 0 : i32
    %c0_i32_0 = arith.constant 0 : i32
    %c0_i32_1 = arith.constant 0 : i32
    return %c0_i32, %c0_i32_0 : i32, i32
  }
  func.func @transform_11(%arg0: i32, %arg1: i32) -> (i32, i32) {
    %c0_i32 = arith.constant 0 : i32
    %c0_i32_0 = arith.constant 0 : i32
    %c0_i32_1 = arith.constant 0 : i32
    return %c0_i32, %c0_i32_0 : i32, i32
  }
  func.func @transform_12(%arg0: i32, %arg1: i32) -> (i32, i32, i32) {
    %c0_i32 = arith.constant 0 : i32
    %c0_i32_0 = arith.constant 0 : i32
    return %arg0, %arg1, %c0_i32 : i32, i32, i32
  }
}

</mosaic_0001>

<sc_bundles>
// kernel: kernel.5.cloned.1.call-start
scs
__scs_entry_jumppad:
0x0: {  	(pc) =	sbr.rel $0x88, $3  }
0x1: {  	(tag) =	ssettag $0x0;
	lr =	simm.s32 $0x1  }
0x2: {  	[smem:$0x3F98] =	sst lr;
	_ =	strace $0xD0000000  }
0x3: {  	_ = 	snop  }
0x4: {  	_ = 	snop  }
0x5: {  	_ = 	snop  }
0x6: {  	_ = 	snop  }
0x7: {  	_ = 	snop  }
__scs_overlays_trampoline_lowered:
0x8: {  	[smem:$0x3FA7] =	sst s0  }
0x9: {  	[smem:$0x3FA8] =	sst s1  }
0xa: {  	[smem:$0x3FA9] =	sst s2  }
0xb: {  	[smem:$0x3FAA] =	sst s3  }
0xc: {  	[smem:$0x3FAB] =	sst s4  }
0xd: {  	[smem:$0x3FAC] =	sst s5  }
0xe: {  	[smem:$0x3FAD] =	sst s6  }
0xf: {  	[smem:$0x3FAE] =	sst s7  }
0x10: {  	[smem:$0x3FAF] =	sst s8  }
0x11: {  	[smem:$0x3FB0] =	sst s9;
	s0 =	simm.s32 @!p0 $0x0  }
0x12: {  	s1 =	sld [smem:$0x3F96];
	s0 =	simm.s32 @p0 $0x1  }
0x13: {  	[smem:$0x3FB1] =	sst s0;
	s0 =	simm.s32 @!p1 $0x0  }
0x14: {  	s2 =	sld [smem:$0x3F95];
	s0 =	simm.s32 @p1 $0x1  }
0x15: {  	[smem:$0x3FB2] =	sst s0;
	s0 =	simm.s32 @!p2 $0x0  }
0x16: {  	s3 =	sld [smem:$0x3FDB];
	s0 =	simm.s32 @p2 $0x1  }
0x17: {  	s4 =	simm.s32 $0x1BF5;
	[smem:$0x3FB4] =	sst s0  }
0x18: {  	s0 =	sld [smem:$0x3F97];
	_ =	swait.ge [sflag:s4], $0x0  }
0x19: {  	s7 =	sld [smem:$0x3F98]  }
0x1a: {  	s8 =	sadd.s32 $0xFFFFE003, lr  }
0x1b: {  	s9 =	sadd.s32 $0xFFFFFEF7, lr;
	s5 =	simm.s32 $0xFFFFFFFF;
	p2 =	slt.u32 s8, $0xFFFFF086  }
0x1c: {  	p1 =	slt.u32 s9, $0xF7A;
	s5 =	simm.s32 @!p2 $0x0  }
0x1d: {  	s5 =	simm.s32 @p1 $0x1;
	p0 =	seq.s32 s7, s2  }
0x1e: {  	s7 =	smul.u32 @!p0 $0xF7A, s2;
	p2 =	seq.s32 @!p0 s5, $0x0  }
0x1f: {  	s9 =	smul.u32 $0xF7A, s1;
	s8 =	simm.s32 @!p0 $0x1BF5;
	p2 =	por !p2, p0  }
0x20: {  	[sflag:s8] =	ssyncset.s32 @!p0 $0xFFFFF086;
	s6 =	sadd.s32 @!p0 s3, s7;
	s7 =	simm.s32 @!p0 $0x108  }
0x21: {  	s3 =	sadd.s32 s3, s9;
	s6 =	sadd.s32 @!p0 $0x88, s6;
	s7 =	simm.s32 @p2 $0x1082  }
0x22: {  	[simem:s7], [sflag:s8] =	dma.local @!p0 [hbm:s6], $0xF7A  }
0x23: {  	s9 =	sor.u32 $0xD0000000, s2;
	s6 =	simm.s32 $0x108;
	_ =	swait.ge @!p0 [sflag:s8], $0x0  }
0x24: {  	s3 =	sadd.s32 $0x88, s3;
	s6 =	simm.s32 @!p1 $0x1082;
	[sflag:s4] =	ssyncset.s32 $0xFFFFF086  }
0x25: {  	[simem:s6], [sflag:s4] =	dma.local [hbm:s3], $0xF7A  }
0x26: {  	[smem:$0x3F98] =	sst s1;
	(tag) =	ssettag s2;
	_ =	strace s9  }
0x27: {  	s1 =	sld [smem:$0x3FA8]  }
0x28: {  	s2 =	sld [smem:$0x3FA9]  }
0x29: {  	s4 =	sld [smem:$0x3FAB]  }
0x2a: {  	p0 =	seq.s32 s5, $0x0;
	s5 =	sld [smem:$0x3FAC]  }
0x2b: {  	s6 =	sld [smem:$0x3FAD]  }
0x2c: {  	s7 =	sld [smem:$0x3FAE]  }
0x2d: {  	s3 =	simm.s32 $0x108;
	s8 =	sld [smem:$0x3FAF]  }
0x2e: {  	s3 =	simm.s32 @!p0 $0x1082;
	s9 =	sld [smem:$0x3FB0]  }
0x2f: {  	lr =	sadd.s32 s0, s3;
	s0 =	sld [smem:$0x3FA7]  }
0x30: {  	s3 =	sld [smem:$0x3FAA]  }
0x31: {  	[smem:$0x3FB3] =	sst s10  }
0x32: {  	s10 =	sld [smem:$0x3FB1];
	_ =	sdelay $0x3  }
0x33: {  	p0 =	seq.s32 s10, $0x1;
	s10 =	sld [smem:$0x3FB3];
	_ =	sdelay $0x3  }
0x34: {  	[smem:$0x3FB3] =	sst s10  }
0x35: {  	s10 =	sld [smem:$0x3FB2];
	_ =	sdelay $0x3  }
0x36: {  	p1 =	seq.s32 s10, $0x1;
	s10 =	sld [smem:$0x3FB3];
	_ =	sdelay $0x3  }
0x37: {  	[smem:$0x3FB3] =	sst s10  }
0x38: {  	s10 =	sld [smem:$0x3FB4]  }
0x39: {  	_ = 	snop;
	(pc) =	sbr.ind lr, $3  }
0x3a: {  	_ = 	snop  }
0x3b: {  	_ = 	snop  }
0x3c: {  	p2 =	seq.s32 s10, $0x1;
	s10 =	sld [smem:$0x3FB3]  }
0x3d: {  	_ =	shalt  }
0x3e: {  	_ =	shalt  }
0x3f: {  	_ =	shalt  }
0x40: {  	_ =	shalt  }
0x41: {  	_ =	shalt  }
0x42: {  	_ =	shalt  }
0x43: {  	_ =	shalt  }
0x44: {  	_ =	shalt  }
0x45: {  	_ =	shalt  }
0x46: {  	_ =	shalt  }
0x47: {  	_ =	shalt  }
0x48: {  	_ =	shalt  }
0x49: {  	_ =	shalt  }
0x4a: {  	_ =	shalt  }
0x4b: {  	_ =	shalt  }
0x4c: {  	_ =	shalt  }
0x4d: {  	_ =	shalt  }
0x4e: {  	_ =	shalt  }
0x4f: {  	_ =	shalt  }
0x50: {  	_ =	shalt  }
0x51: {  	_ =	shalt  }
0x52: {  	_ =	shalt  }
0x53: {  	_ =	shalt  }
0x54: {  	_ =	shalt  }
0x55: {  	_ =	shalt  }
0x56: {  	_ =	shalt  }
0x57: {  	_ =	shalt  }
0x58: {  	_ =	shalt  }
0x59: {  	_ =	shalt  }
0x5a: {  	_ =	shalt  }
0x5b: {  	_ =	shalt  }
0x5c: {  	_ =	shalt  }
0x5d: {  	_ =	shalt  }
0x5e: {  	_ =	shalt  }
0x5f: {  	_ =	shalt  }
0x60: {  	_ =	shalt  }
0x61: {  	_ =	shalt  }
0x62: {  	_ =	shalt  }
0x63: {  	_ =	shalt  }
0x64: {  	_ =	shalt  }
0x65: {  	_ =	shalt  }
0x66: {  	_ =	shalt  }
0x67: {  	_ =	shalt  }
0x68: {  	_ =	shalt  }
0x69: {  	_ =	shalt  }
0x6a: {  	_ =	shalt  }
0x6b: {  	_ =	shalt  }
0x6c: {  	_ =	shalt  }
0x6d: {  	_ =	shalt  }
0x6e: {  	_ =	shalt  }
0x6f: {  	_ =	shalt  }
0x70: {  	_ =	shalt  }
0x71: {  	_ =	shalt  }
0x72: {  	_ =	shalt  }
0x73: {  	_ =	shalt  }
0x74: {  	_ =	shalt  }
0x75: {  	_ =	shalt  }
0x76: {  	_ =	shalt  }
0x77: {  	_ =	shalt  }
0x78: {  	_ =	shalt  }
0x79: {  	_ =	shalt  }
0x7a: {  	_ =	shalt  }
0x7b: {  	_ =	shalt  }
0x7c: {  	_ =	shalt  }
0x7d: {  	_ =	shalt  }
0x7e: {  	_ =	shalt  }
0x7f: {  	_ =	shalt  }
0x80: {  	_ =	shalt  }
0x81: {  	_ =	shalt  }
0x82: {  	_ =	shalt  }
0x83: {  	_ =	shalt  }
0x84: {  	_ =	shalt  }
0x85: {  	_ =	shalt  }
0x86: {  	_ =	shalt  }
0x87: {  	_ =	shalt  }
.Lfunc_end0:
.L_simem_size_0:
called_computation_lowered:
.L_overlay_start_0:
0x88: {  	s2 =	sld [smem:$0x3FD9]  }
0x89: {  	s3 =	sld [smem:$0x3FFE];
	_ =	sdelay $0x1  }
0x8a: {  	s1 =	srdreg.scid  }
0x8b: {  	s0 =	sand.u32 $0x1, s1  }
0x8c: {  	s14 =	sshll.u32 s0, $0xA;
	s2 =	sadd.s32 s3, s2  }
0x8d: {  	s2 =	sadd.s32 s2, s14  }
0x8e: {  	[smem:$0x3FBF] =	sst s2  }
0x8f: {  	_ = 	snop  }
0x90: {  	s2 =	sld [smem:$0x3FD0];
	_ =	sdelay $0x2  }
0x91: {  	s15 =	simm.s32 $0xA;
	s4 =	simm.s32 $0x10  }
0x92: {  	[smem:s4], [sflag:s15] =	dma.local [hbm:s2], $0x1  }
0x93: {  	_ =	swait.eq [sflag:s15], $0x1  }
0x94: {  	[sflag:s15] =	ssyncset.done $0x0  }
0x95: {  	[sflag:s15] =	ssyncadd.s32 $0xFFFFFFFF  }
0x96: {  	s16 =	sld [smem:$0x10];
	(tm) =	ssettm $0x1  }
0x97: {  	s17 =	sld [smem:$0x3FFB];
	_ =	sdelay $0x3  }
0x98: {  	_ =	strace s17  }
0x99: {  	s3 =	sld [smem:$0x3FFC];
	_ =	sdelay $0x3  }
0x9a: {  	_ =	strace s3  }
0x9b: {  	s3 =	sld [smem:$0x3FFD];
	_ =	sdelay $0x3  }
0x9c: {  	_ =	strace s3  }
0x9d: {  	_ =	strace $0x8FFFFFFF  }
0x9e: {  	s18 =	sld [smem:$0x3FDB];
	_ =	sdelay $0x1  }
0x9f: {  	s19 =	simm.s32 $_scs_section_size  }
0xa0: {  	s5 =	simm.s32 $_size__tile_overlayer_lowered;
	s6 =	simm.s32 $_tile_overlayer_lowered  }
0xa1: {  	s22 =	simm.s32 $0x1BFF;
	s21 =	sshll.u32 s6, $0x1;
	s3 =	sadd.s32 s19, s18  }
0xa2: {  	s7 =	simm.s32 $0x0;
	s20 =	sshll.u32 s5, $0x1;
	s5 =	sadd.s32 s21, s3  }
0xa3: {  	[timem:s7], [sflag:s22] =	dma.local [hbm:s5], s20  }
0xa4: {  	_ =	swait.ge [sflag:s22], s20  }
0xa5: {  	s4 =	ssub.s32 $0x0, s20;
	[sflag:s22] =	ssyncset.done $0x0  }
0xa6: {  	[sflag:s22] =	ssyncadd.s32 s4;
	_ =	sdelay $0x1  }
0xa7: {  	s23 =	simm.s32 $0x1B8B  }
0xa8: {  	_ =	swait.ge [sflag:s23], $0x1  }
0xa9: {  	[sflag:s23] =	ssyncset.done $0x0  }
0xaa: {  	s25 =	simm.s32 $0x1B8E;
	s24 =	sld [smem:$0x3FFE];
	[sflag:s23] =	ssyncadd.s32 $0xFFFFFFFF  }
0xab: {  	s26 =	simm.s32 $execute0_lowered;
	[smem:$0x3FD2] =	sst s25  }
0xac: {  	s5 =	sshll.u32 s26, $0x1;
	_ =	strace $0x80000046;
	[dreg:$0x1] =	wrdreg $0xFFFFFFFF  }
0xad: {  	s28 =	simm.s32 $_size_execute0_lowered;
	s3 =	sadd.s32 s3, s5;
	[dreg:$0x0] =	wrdreg $0x0  }
0xae: {  	s5 =	sshll.u32 s28, $0x1;
	[dreg:$0x2] =	wrdreg s3  }
0xaf: {  	[dreg:$0x3] =	wrdreg s5  }
0xb0: {  	[dreg:$0x4] =	wrdreg $0xC0  }
0xb1: {  	_ =	task [dreg:s7], $0x5FFFF  }
0xb2: {  	[dreg:$0x1] =	wrdreg $0xFFFFFFFF  }
0xb3: {  	[dreg:$0x0] =	wrdreg $0x60  }
0xb4: {  	[dreg:$0x2] =	wrdreg s24  }
0xb5: {  	[dreg:$0x3] =	wrdreg s16  }
0xb6: {  	[dreg:$0x4] =	wrdreg $0x9  }
0xb7: {  	_ =	task.clear_ibuf [dreg:s7], $0x5FFFF;
	_ =	strace $0x90000046  }
0xb8: {  	s29 =	simm.s32 $0x9;
	_ =	strace $0x80000048  }
0xb9: {  	_ =	swait.ge [sflag:s29], $0x1  }
0xba: {  	[sflag:s29] =	ssyncadd.s32 $0xFFFFFFFF  }
0xbb: {  	_ =	strace $0x90000048  }
0xbc: {  	_ =	sfence  }
0xbd: {  	s30 =	sld [smem:$0x0];
	_ =	sdelay $0x2  }
0xbe: {  	s31 =	sshll.u32 s1, $0xD;
	s1 =	sshrl.u32 s1, $0x2  }
0xbf: {  	s3 =	sand.u32 $0x4000, s31;
	s1 =	sadd.s32 s1, s30  }
0xc0: {  	s0 =	sor.u32 s3, s0;
	s1 =	sshll.u32 s1, $0x11  }
0xc1: {  	s0 =	sor.u32 s1, s0  }
0xc2: {  	s0 =	sadd.s32 $0x8F2B, s0  }
0xc3: {  	[sflag:s0] =	ssyncadd.remote.s32 $0x1  }
0xc4: {  	_ =	sfence.sel $0xFFFF  }
0xc5: {  	[dreg:$0x0] =	wrdreg $0xFFFFFFFF;
	(pc) =	sbr.abs _section_cstart, $3  }
0xc6: {  	[dreg:$0x1] =	wrdreg $0xFFFFFFFF  }
0xc7: {  	_ =	task.clear_ibuf [dreg:s7], $0x2FFFF;
	_ =	strace $0x9FFFFFFF  }
0xc8: {  	(tm) =	ssettm $0x7FFFFFFF  }
0xc9: {  	_ =	shalt  }
tec
execute0_lowered:
.L_overlay_start_1:
0x0: {  	(tag) =	ssettag $0x1  }
0x1: {  	s1 =	srdreg.scid  }
0x2: {  	s0 =	stileid.u32;
	s3 =	rddreg [dreg:$0x0]  }
0x3: {  	s5 =	rddreg [dreg:$0x1];
	s20 =	simm.s32 $0x1800;
	s21 =	simm.s32 $0x100  }
0x4: {  	s23 =	simm.s32 $0x2800;
	s24 =	simm.s32 $0x180;
	s25 =	simm.s32 $0x3800  }
0x5: {  	s26 =	simm.s32 $0x200;
	s7 =	simm.s32 $0x80;
	s11 =	simm.s32 $0x300  }
0x6: {  	s12 =	simm.s32 $0x6800;
	s13 =	simm.s32 $0x380;
	s14 =	simm.s32 $0x7800  }
0x7: {  	s15 =	simm.s32 $0x400;
	s16 =	simm.s32 $0x8800;
	s17 =	simm.s32 $0x480  }
0x8: {  	s18 =	simm.s32 $0x9800;
	s19 =	simm.s32 $0x500;
	s1 =	sand.u32 $0x1, s1  }
0x9: {  	p0 =	por $0x0, $0x0;
	s2 =	sshll.u32 s0, $0xC;
	s4 =	sshll.u32 s1, $0xB  }
0xa: {  	s28 =	simm.s32 $0x700;
	s4 =	sor.u32 s4, s2;
	s2 =	simm.s32 $0x0  }
0xb: {  	s29 =	simm.s32 $0xE800;
	s30 =	simm.s32 $0x780;
	[smem:$0x7FF] =	sst s2  }
0xc: {  	s1 =	ssub.s32 $0x2, s1;
	_ =	strace $0x80000047;
	[dreg:$0x5] =	wrdreg s20  }
0xd: {  	s31 =	simm.s32 $0xF800;
	s22 =	sshrl.u32 s1, $0x1;
	[dreg:$0x6] =	wrdreg s21  }
0xe: {  	s6 =	sshrl.u32 s4, $0x3;
	s4 =	sshll.u32 s4, $0x2;
	[dreg:$0x7] =	wrdreg s23  }
0xf: {  	s1 =	ssub.s32 s1, s22;
	s22 =	simm.s32 $0xB800;
	[dreg:$0x8] =	wrdreg s24  }
0x10: {  	s6 =	sadd.s32 s6, s3;
	s1 =	smax.u32 s1, $0x1;
	[dreg:$0x9] =	wrdreg s25  }
0x11: {  	s4 =	sadd.s32 s5, s4;
	[dreg:$0xa] =	wrdreg s26;
	p1 =	sne.s32 s1, $0x1  }
.Ltmp0:
0x12: {  	s20 =	simm.s32 $0xA800;
	s21 =	simm.s32 $0x580;
	(pc) =	sbr.rel @!p1 .LBB2_3-.Ltmp0, $4  }
0x13: {  	s23 =	simm.s32 $0x600;
	s24 =	simm.s32 $0xC800;
	s25 =	simm.s32 $0x680  }
0x14: {  	s26 =	simm.s32 $0xD800;
	s5 =	simm.s32 $0x1;
	s6 =	sadd.s32 $0x1A00, s6  }
0x15: {  	[dreg:$0x4] =	wrdreg s4;
	s4 =	simm.s32 $0x800;
	s8 =	sadd.s32 $0xFFFFFFFF, s1  }
0x16: {  	[dreg:$0x3] =	wrdreg s6;
	s6 =	sadd.s32 $0x3A00, s3;
	s3 =	simm.s32 $0x2  }
0x17: {  	s0 =	rddreg [dreg:$0x3]  }
0x18: {  	[tilespmem:s2], [sflag:$0x2] =	stream.linear.gather [hbm4b:s0+s2], $0x800, $0x38;
	[tilespmem:$0x10800] =	vst v63  }
0x19: {  	_ =	swait.ge [sflag:s3], $0x800  }
0x1a: {  	s10 =	rddreg [dreg:$0x6]  }
0x1b: {  	s1 =	rddreg [dreg:$0x5]  }
0x1c: {  	s0 =	rddreg [dreg:$0x7]  }
0x1d: {  	[sflag:s3] =	ssyncset.done $0x0;
	[dreg:$0xb] =	wrdreg s10  }
0x1e: {  	[sflag:s3] =	ssyncadd.s32 $0xFFFFF800;
	s10 =	rddreg [dreg:$0x9]  }
0x1f: {  	[tilespmem:s4], [sflag:$0x1] =	stream.indirect.gather [hbm4b:s6+s7], $0x20, s2, s7, $0xb8;
	[tilespmem:$0x10800] =	vst v63  }
0x20: {  	[dreg:$0xc] =	wrdreg s10  }
0x21: {  	s10 =	rddreg [dreg:$0xb]  }
0x22: {  	[tilespmem:s1], [sflag:$0x1] =	stream.indirect.gather [hbm4b:s6+s7], $0x20, s7, s7, $0xb8;
	[tilespmem:$0x10800] =	vst v63  }
0x23: {  	s1 =	rddreg [dreg:$0x8]  }
0x24: {  	[tilespmem:s0], [sflag:$0x1] =	stream.indirect.gather [hbm4b:s6+s7], $0x20, s10, s7, $0xb8;
	[tilespmem:$0x10800] =	vst v63  }
0x25: {  	s10 =	rddreg [dreg:$0xc]  }
0x26: {  	[tilespmem:s10], [sflag:$0x1] =	stream.indirect.gather [hbm4b:s6+s7], $0x20, s1, s7, $0xb8;
	[tilespmem:$0x10800] =	vst v63  }
0x27: {  	s9 =	simm.s32 $0x4800;
	s0 =	rddreg [dreg:$0xa]  }
0x28: {  	[tilespmem:s9], [sflag:$0x1] =	stream.indirect.gather [hbm4b:s6+s7], $0x20, s0, s7, $0xb8;
	[tilespmem:$0x10800] =	vst v63  }
0x29: {  	s1 =	simm.s32 $0x280;
	s9 =	simm.s32 $0x5800  }
0x2a: {  	[tilespmem:s9], [sflag:$0x1] =	stream.indirect.gather [hbm4b:s6+s7], $0x20, s1, s7, $0xb8;
	[tilespmem:$0x10800] =	vst v63  }
0x2b: {  	_ = 	snop  }
0x2c: {  	[tilespmem:s12], [sflag:$0x1] =	stream.indirect.gather [hbm4b:s6+s7], $0x20, s11, s7, $0xb8;
	[tilespmem:$0x10800] =	vst v63  }
0x2d: {  	_ = 	snop  }
0x2e: {  	[tilespmem:s14], [sflag:$0x1] =	stream.indirect.gather [hbm4b:s6+s7], $0x20, s13, s7, $0xb8;
	[tilespmem:$0x10800] =	vst v63  }
0x2f: {  	_ = 	snop  }
0x30: {  	[tilespmem:s16], [sflag:$0x1] =	stream.indirect.gather [hbm4b:s6+s7], $0x20, s15, s7, $0xb8;
	[tilespmem:$0x10800] =	vst v63  }
0x31: {  	_ = 	snop  }
0x32: {  	[tilespmem:s18], [sflag:$0x1] =	stream.indirect.gather [hbm4b:s6+s7], $0x20, s17, s7, $0xb8;
	[tilespmem:$0x10800] =	vst v63  }
0x33: {  	_ = 	snop  }
0x34: {  	[tilespmem:s20], [sflag:$0x1] =	stream.indirect.gather [hbm4b:s6+s7], $0x20, s19, s7, $0xb8;
	[tilespmem:$0x10800] =	vst v63  }
0x35: {  	_ = 	snop  }
0x36: {  	[tilespmem:s22], [sflag:$0x1] =	stream.indirect.gather [hbm4b:s6+s7], $0x20, s21, s7, $0xb8;
	[tilespmem:$0x10800] =	vst v63  }
0x37: {  	_ = 	snop  }
0x38: {  	[tilespmem:s24], [sflag:$0x1] =	stream.indirect.gather [hbm4b:s6+s7], $0x20, s23, s7, $0xb8;
	[tilespmem:$0x10800] =	vst v63  }
0x39: {  	_ = 	snop  }
0x3a: {  	[tilespmem:s26], [sflag:$0x1] =	stream.indirect.gather [hbm4b:s6+s7], $0x20, s25, s7, $0xb8;
	[tilespmem:$0x10800] =	vst v63  }
0x3b: {  	_ = 	snop  }
0x3c: {  	[tilespmem:s29], [sflag:$0x1] =	stream.indirect.gather [hbm4b:s6+s7], $0x20, s28, s7, $0xb8;
	[tilespmem:$0x10800] =	vst v63  }
0x3d: {  	_ = 	snop  }
0x3e: {  	[tilespmem:s31], [sflag:$0x1] =	stream.indirect.gather [hbm4b:s6+s7], $0x20, s30, s7, $0xb8;
	[tilespmem:$0x10800] =	vst v63  }
0x3f: {  	_ =	swait.ge [sflag:s5], $0x1000  }
0x40: {  	[sflag:s5] =	ssyncset.done $0x0  }
0x41: {  	[sflag:s5] =	ssyncadd.s32 $0xFFFFF000  }
0x42: {  	_ =	swait.ge [sflag:s5], $0x1000  }
0x43: {  	[sflag:s5] =	ssyncset.done $0x0  }
0x44: {  	[sflag:s5] =	ssyncadd.s32 $0xFFFFF000  }
0x45: {  	_ =	swait.ge [sflag:s5], $0x1000  }
0x46: {  	[sflag:s5] =	ssyncset.done $0x0  }
0x47: {  	[sflag:s5] =	ssyncadd.s32 $0xFFFFF000  }
0x48: {  	_ =	swait.ge [sflag:s5], $0x1000  }
0x49: {  	[sflag:s5] =	ssyncset.done $0x0  }
0x4a: {  	[sflag:s5] =	ssyncadd.s32 $0xFFFFF000  }
0x4b: {  	_ =	swait.ge [sflag:s5], $0x1000  }
0x4c: {  	[sflag:s5] =	ssyncset.done $0x0  }
0x4d: {  	[sflag:s5] =	ssyncadd.s32 $0xFFFFF000  }
0x4e: {  	_ =	swait.ge [sflag:s5], $0x1000  }
0x4f: {  	[sflag:s5] =	ssyncset.done $0x0  }
0x50: {  	[sflag:s5] =	ssyncadd.s32 $0xFFFFF000  }
0x51: {  	_ =	swait.ge [sflag:s5], $0x1000  }
0x52: {  	[sflag:s5] =	ssyncset.done $0x0  }
0x53: {  	[sflag:s5] =	ssyncadd.s32 $0xFFFFF000  }
0x54: {  	_ =	swait.ge [sflag:s5], $0x1000  }
0x55: {  	[sflag:s5] =	ssyncset.done $0x0  }
0x56: {  	[sflag:s5] =	ssyncadd.s32 $0xFFFFF000  }
0x57: {  	_ =	swait.ge [sflag:s5], $0x1000  }
0x58: {  	[sflag:s5] =	ssyncset.done $0x0  }
0x59: {  	[sflag:s5] =	ssyncadd.s32 $0xFFFFF000  }
0x5a: {  	_ =	swait.ge [sflag:s5], $0x1000  }
0x5b: {  	[sflag:s5] =	ssyncset.done $0x0  }
0x5c: {  	[sflag:s5] =	ssyncadd.s32 $0xFFFFF000  }
0x5d: {  	_ =	swait.ge [sflag:s5], $0x1000  }
0x5e: {  	[sflag:s5] =	ssyncset.done $0x0  }
0x5f: {  	[sflag:s5] =	ssyncadd.s32 $0xFFFFF000  }
0x60: {  	_ =	swait.ge [sflag:s5], $0x1000  }
0x61: {  	[sflag:s5] =	ssyncset.done $0x0  }
0x62: {  	[sflag:s5] =	ssyncadd.s32 $0xFFFFF000  }
0x63: {  	_ =	swait.ge [sflag:s5], $0x1000  }
0x64: {  	[sflag:s5] =	ssyncset.done $0x0  }
0x65: {  	[sflag:s5] =	ssyncadd.s32 $0xFFFFF000  }
0x66: {  	_ =	swait.ge [sflag:s5], $0x1000  }
0x67: {  	[sflag:s5] =	ssyncset.done $0x0  }
0x68: {  	[sflag:s5] =	ssyncadd.s32 $0xFFFFF000  }
0x69: {  	_ =	swait.ge [sflag:s5], $0x1000  }
0x6a: {  	p1 =	sne.s32 s8, $0x1;
	[sflag:s5] =	ssyncset.done $0x0  }
.Ltmp1:
0x6b: {  	[sflag:s5] =	ssyncadd.s32 $0xFFFFF000;
	(pc) =	sbr.rel @!p1 .LBB2_3-.Ltmp1, $4  }
0x6c: {  	_ =	swait.ge [sflag:s5], $0x1000  }
0x6d: {  	p0 =	por $0x1, $0x1;
	[sflag:s5] =	ssyncset.done $0x0  }
0x6e: {  	s1 =	sadd.s32 $0xFFFFFFFF, s8;
	s10 =	rddreg [dreg:$0x4];
	[sflag:s5] =	ssyncadd.s32 $0xFFFFF000  }
0x6f: {  	[hbm4b:s10+s2] =	stream.linear.scatter [tilespmem:s4], [sflag:$0x2], $0x10000, $0x38;
	[tilespmem:$0x10800] =	vst v63  }
.LBB2_2:
0x70: {  	_ =	swait.ge [sflag:s3], $0x10000  }
0x71: {  	[sflag:s3] =	ssyncset.done $0x0  }
0x72: {  	s0 =	rddreg [dreg:$0x3];
	[sflag:s3] =	ssyncadd.s32 $0xFFFF0000  }
0x73: {  	[tilespmem:s2], [sflag:$0x2] =	stream.linear.gather [hbm4b:s0+s2], $0x800, $0x38;
	[tilespmem:$0x10800] =	vst v63  }
0x74: {  	_ =	swait.ge [sflag:s3], $0x800  }
0x75: {  	s0 =	rddreg [dreg:$0x6];
	[sflag:s3] =	ssyncset.done $0x0  }
0x76: {  	s8 =	rddreg [dreg:$0x5];
	[sflag:s3] =	ssyncadd.s32 $0xFFFFF800  }
0x77: {  	[tilespmem:s4], [sflag:$0x1] =	stream.indirect.gather [hbm4b:s6+s7], $0x20, s2, s7, $0xb8;
	[tilespmem:$0x10800] =	vst v63  }
0x78: {  	s9 =	rddreg [dreg:$0x7]  }
0x79: {  	[tilespmem:s8], [sflag:$0x1] =	stream.indirect.gather [hbm4b:s6+s7], $0x20, s7, s7, $0xb8;
	[tilespmem:$0x10800] =	vst v63  }
0x7a: {  	s10 =	rddreg [dreg:$0x9]  }
0x7b: {  	[tilespmem:s9], [sflag:$0x1] =	stream.indirect.gather [hbm4b:s6+s7], $0x20, s0, s7, $0xb8;
	[tilespmem:$0x10800] =	vst v63  }
0x7c: {  	s8 =	rddreg [dreg:$0x8]  }
0x7d: {  	[tilespmem:s10], [sflag:$0x1] =	stream.indirect.gather [hbm4b:s6+s7], $0x20, s8, s7, $0xb8;
	[tilespmem:$0x10800] =	vst v63  }
0x7e: {  	s0 =	rddreg [dreg:$0xa];
	s8 =	simm.s32 $0x4800  }
0x7f: {  	[tilespmem:s8], [sflag:$0x1] =	stream.indirect.gather [hbm4b:s6+s7], $0x20, s0, s7, $0xb8;
	[tilespmem:$0x10800] =	vst v63  }
0x80: {  	s9 =	simm.s32 $0x280;
	s10 =	simm.s32 $0x5800  }
0x81: {  	[tilespmem:s10], [sflag:$0x1] =	stream.indirect.gather [hbm4b:s6+s7], $0x20, s9, s7, $0xb8;
	[tilespmem:$0x10800] =	vst v63  }
0x82: {  	_ = 	snop  }
0x83: {  	[tilespmem:s12], [sflag:$0x1] =	stream.indirect.gather [hbm4b:s6+s7], $0x20, s11, s7, $0xb8;
	[tilespmem:$0x10800] =	vst v63  }
0x84: {  	_ = 	snop  }
0x85: {  	[tilespmem:s14], [sflag:$0x1] =	stream.indirect.gather [hbm4b:s6+s7], $0x20, s13, s7, $0xb8;
	[tilespmem:$0x10800] =	vst v63  }
0x86: {  	_ = 	snop  }
0x87: {  	[tilespmem:s16], [sflag:$0x1] =	stream.indirect.gather [hbm4b:s6+s7], $0x20, s15, s7, $0xb8;
	[tilespmem:$0x10800] =	vst v63  }
0x88: {  	_ = 	snop  }
0x89: {  	[tilespmem:s18], [sflag:$0x1] =	stream.indirect.gather [hbm4b:s6+s7], $0x20, s17, s7, $0xb8;
	[tilespmem:$0x10800] =	vst v63  }
0x8a: {  	_ = 	snop  }
0x8b: {  	[tilespmem:s20], [sflag:$0x1] =	stream.indirect.gather [hbm4b:s6+s7], $0x20, s19, s7, $0xb8;
	[tilespmem:$0x10800] =	vst v63  }
0x8c: {  	_ = 	snop  }
0x8d: {  	[tilespmem:s22], [sflag:$0x1] =	stream.indirect.gather [hbm4b:s6+s7], $0x20, s21, s7, $0xb8;
	[tilespmem:$0x10800] =	vst v63  }
0x8e: {  	_ = 	snop  }
0x8f: {  	[tilespmem:s24], [sflag:$0x1] =	stream.indirect.gather [hbm4b:s6+s7], $0x20, s23, s7, $0xb8;
	[tilespmem:$0x10800] =	vst v63  }
0x90: {  	_ = 	snop  }
0x91: {  	[tilespmem:s26], [sflag:$0x1] =	stream.indirect.gather [hbm4b:s6+s7], $0x20, s25, s7, $0xb8;
	[tilespmem:$0x10800] =	vst v63  }
0x92: {  	_ = 	snop  }
0x93: {  	[tilespmem:s29], [sflag:$0x1] =	stream.indirect.gather [hbm4b:s6+s7], $0x20, s28, s7, $0xb8;
	[tilespmem:$0x10800] =	vst v63  }
0x94: {  	_ = 	snop  }
0x95: {  	[tilespmem:s31], [sflag:$0x1] =	stream.indirect.gather [hbm4b:s6+s7], $0x20, s30, s7, $0xb8;
	[tilespmem:$0x10800] =	vst v63  }
0x96: {  	_ =	swait.ge [sflag:s5], $0x1000  }
0x97: {  	[sflag:s5] =	ssyncset.done $0x0  }
0x98: {  	[sflag:s5] =	ssyncadd.s32 $0xFFFFF000  }
0x99: {  	_ =	swait.ge [sflag:s5], $0x1000  }
0x9a: {  	[sflag:s5] =	ssyncset.done $0x0  }
0x9b: {  	[sflag:s5] =	ssyncadd.s32 $0xFFFFF000  }
0x9c: {  	_ =	swait.ge [sflag:s5], $0x1000  }
0x9d: {  	[sflag:s5] =	ssyncset.done $0x0  }
0x9e: {  	[sflag:s5] =	ssyncadd.s32 $0xFFFFF000  }
0x9f: {  	_ =	swait.ge [sflag:s5], $0x1000  }
0xa0: {  	[sflag:s5] =	ssyncset.done $0x0  }
0xa1: {  	[sflag:s5] =	ssyncadd.s32 $0xFFFFF000  }
0xa2: {  	_ =	swait.ge [sflag:s5], $0x1000  }
0xa3: {  	[sflag:s5] =	ssyncset.done $0x0  }
0xa4: {  	[sflag:s5] =	ssyncadd.s32 $0xFFFFF000  }
0xa5: {  	_ =	swait.ge [sflag:s5], $0x1000  }
0xa6: {  	[sflag:s5] =	ssyncset.done $0x0  }
0xa7: {  	[sflag:s5] =	ssyncadd.s32 $0xFFFFF000  }
0xa8: {  	_ =	swait.ge [sflag:s5], $0x1000  }
0xa9: {  	[sflag:s5] =	ssyncset.done $0x0  }
0xaa: {  	[sflag:s5] =	ssyncadd.s32 $0xFFFFF000  }
0xab: {  	_ =	swait.ge [sflag:s5], $0x1000  }
0xac: {  	[sflag:s5] =	ssyncset.done $0x0  }
0xad: {  	[sflag:s5] =	ssyncadd.s32 $0xFFFFF000  }
0xae: {  	_ =	swait.ge [sflag:s5], $0x1000  }
0xaf: {  	[sflag:s5] =	ssyncset.done $0x0  }
0xb0: {  	[sflag:s5] =	ssyncadd.s32 $0xFFFFF000  }
0xb1: {  	_ =	swait.ge [sflag:s5], $0x1000  }
0xb2: {  	[sflag:s5] =	ssyncset.done $0x0  }
0xb3: {  	[sflag:s5] =	ssyncadd.s32 $0xFFFFF000  }
0xb4: {  	_ =	swait.ge [sflag:s5], $0x1000  }
0xb5: {  	[sflag:s5] =	ssyncset.done $0x0  }
0xb6: {  	[sflag:s5] =	ssyncadd.s32 $0xFFFFF000  }
0xb7: {  	_ =	swait.ge [sflag:s5], $0x1000  }
0xb8: {  	[sflag:s5] =	ssyncset.done $0x0  }
0xb9: {  	[sflag:s5] =	ssyncadd.s32 $0xFFFFF000  }
0xba: {  	_ =	swait.ge [sflag:s5], $0x1000  }
0xbb: {  	[sflag:s5] =	ssyncset.done $0x0  }
0xbc: {  	[sflag:s5] =	ssyncadd.s32 $0xFFFFF000  }
0xbd: {  	_ =	swait.ge [sflag:s5], $0x1000  }
0xbe: {  	[sflag:s5] =	ssyncset.done $0x0  }
0xbf: {  	[sflag:s5] =	ssyncadd.s32 $0xFFFFF000  }
0xc0: {  	_ =	swait.ge [sflag:s5], $0x1000  }
0xc1: {  	p1 =	sne.s32 s1, $0x1;
	[sflag:s5] =	ssyncset.done $0x0  }
.Ltmp2:
0xc2: {  	[sflag:s5] =	ssyncadd.s32 $0xFFFFF000;
	(pc) =	sbr.rel @p1 .LBB2_2-.Ltmp2, $4  }
0xc3: {  	_ =	swait.ge [sflag:s5], $0x1000  }
0xc4: {  	[sflag:s5] =	ssyncset.done $0x0  }
0xc5: {  	s1 =	sadd.s32 $0xFFFFFFFF, s1;
	s10 =	rddreg [dreg:$0x4];
	[sflag:s5] =	ssyncadd.s32 $0xFFFFF000  }
0xc6: {  	[hbm4b:s10+s2] =	stream.linear.scatter [tilespmem:s4], [sflag:$0x2], $0x10000, $0x38;
	[tilespmem:$0x10800] =	vst v63  }
.LBB2_3:
0xc7: {  	_ =	swait.ge @p0 [sflag:s3], $0x10000  }
0xc8: {  	[sflag:s3] =	ssyncset.done @p0 $0x0  }
0xc9: {  	s0 =	rddreg [dreg:$0x3];
	[sflag:s3] =	ssyncadd.s32 @p0 $0xFFFF0000  }
0xca: {  	[tilespmem:s2], [sflag:$0x2] =	stream.linear.gather [hbm4b:s0+s2], $0x800, $0x38;
	[tilespmem:$0x10800] =	vst v63  }
0xcb: {  	_ =	swait.ge [sflag:s3], $0x800  }
0xcc: {  	[sflag:s3] =	ssyncset.done $0x0;
	s10 =	rddreg [dreg:$0x5]  }
0xcd: {  	s0 =	rddreg [dreg:$0x6];
	[sflag:s3] =	ssyncadd.s32 $0xFFFFF800  }
0xce: {  	[tilespmem:s4], [sflag:$0x1] =	stream.indirect.gather [hbm4b:s6+s7], $0x20, s2, s7, $0xb8;
	[tilespmem:$0x10800] =	vst v63  }
0xcf: {  	s1 =	rddreg [dreg:$0x7]  }
0xd0: {  	[tilespmem:s10], [sflag:$0x1] =	stream.indirect.gather [hbm4b:s6+s7], $0x20, s7, s7, $0xb8;
	[tilespmem:$0x10800] =	vst v63  }
0xd1: {  	s8 =	rddreg [dreg:$0x9]  }
0xd2: {  	[tilespmem:s1], [sflag:$0x1] =	stream.indirect.gather [hbm4b:s6+s7], $0x20, s0, s7, $0xb8;
	[tilespmem:$0x10800] =	vst v63  }
0xd3: {  	s9 =	rddreg [dreg:$0x8]  }
0xd4: {  	[tilespmem:s8], [sflag:$0x1] =	stream.indirect.gather [hbm4b:s6+s7], $0x20, s9, s7, $0xb8;
	[tilespmem:$0x10800] =	vst v63  }
0xd5: {  	s10 =	simm.s32 $0x4800;
	s1 =	rddreg [dreg:$0xa]  }
0xd6: {  	[tilespmem:s10], [sflag:$0x1] =	stream.indirect.gather [hbm4b:s6+s7], $0x20, s1, s7, $0xb8;
	[tilespmem:$0x10800] =	vst v63  }
0xd7: {  	s9 =	simm.s32 $0x5800;
	s10 =	simm.s32 $0x280  }
0xd8: {  	[tilespmem:s9], [sflag:$0x1] =	stream.indirect.gather [hbm4b:s6+s7], $0x20, s10, s7, $0xb8;
	[tilespmem:$0x10800] =	vst v63  }
0xd9: {  	_ = 	snop  }
0xda: {  	[tilespmem:s12], [sflag:$0x1] =	stream.indirect.gather [hbm4b:s6+s7], $0x20, s11, s7, $0xb8;
	[tilespmem:$0x10800] =	vst v63  }
0xdb: {  	_ = 	snop  }
0xdc: {  	[tilespmem:s14], [sflag:$0x1] =	stream.indirect.gather [hbm4b:s6+s7], $0x20, s13, s7, $0xb8;
	[tilespmem:$0x10800] =	vst v63  }
0xdd: {  	_ = 	snop  }
0xde: {  	[tilespmem:s16], [sflag:$0x1] =	stream.indirect.gather [hbm4b:s6+s7], $0x20, s15, s7, $0xb8;
	[tilespmem:$0x10800] =	vst v63  }
0xdf: {  	_ = 	snop  }
0xe0: {  	[tilespmem:s18], [sflag:$0x1] =	stream.indirect.gather [hbm4b:s6+s7], $0x20, s17, s7, $0xb8;
	[tilespmem:$0x10800] =	vst v63  }
0xe1: {  	_ = 	snop  }
0xe2: {  	[tilespmem:s20], [sflag:$0x1] =	stream.indirect.gather [hbm4b:s6+s7], $0x20, s19, s7, $0xb8;
	[tilespmem:$0x10800] =	vst v63  }
0xe3: {  	_ = 	snop  }
0xe4: {  	[tilespmem:s22], [sflag:$0x1] =	stream.indirect.gather [hbm4b:s6+s7], $0x20, s21, s7, $0xb8;
	[tilespmem:$0x10800] =	vst v63  }
0xe5: {  	_ = 	snop  }
0xe6: {  	[tilespmem:s24], [sflag:$0x1] =	stream.indirect.gather [hbm4b:s6+s7], $0x20, s23, s7, $0xb8;
	[tilespmem:$0x10800] =	vst v63  }
0xe7: {  	_ = 	snop  }
0xe8: {  	[tilespmem:s26], [sflag:$0x1] =	stream.indirect.gather [hbm4b:s6+s7], $0x20, s25, s7, $0xb8;
	[tilespmem:$0x10800] =	vst v63  }
0xe9: {  	_ = 	snop  }
0xea: {  	[tilespmem:s29], [sflag:$0x1] =	stream.indirect.gather [hbm4b:s6+s7], $0x20, s28, s7, $0xb8;
	[tilespmem:$0x10800] =	vst v63  }
0xeb: {  	_ = 	snop  }
0xec: {  	[tilespmem:s31], [sflag:$0x1] =	stream.indirect.gather [hbm4b:s6+s7], $0x20, s30, s7, $0xb8;
	[tilespmem:$0x10800] =	vst v63  }
0xed: {  	_ =	swait.ge [sflag:s5], $0x1000  }
0xee: {  	[sflag:s5] =	ssyncset.done $0x0  }
0xef: {  	[sflag:s5] =	ssyncadd.s32 $0xFFFFF000  }
0xf0: {  	_ =	swait.ge [sflag:s5], $0x1000  }
0xf1: {  	[sflag:s5] =	ssyncset.done $0x0  }
0xf2: {  	[sflag:s5] =	ssyncadd.s32 $0xFFFFF000  }
0xf3: {  	_ =	swait.ge [sflag:s5], $0x1000  }
0xf4: {  	[sflag:s5] =	ssyncset.done $0x0  }
0xf5: {  	[sflag:s5] =	ssyncadd.s32 $0xFFFFF000  }
0xf6: {  	_ =	swait.ge [sflag:s5], $0x1000  }
0xf7: {  	[sflag:s5] =	ssyncset.done $0x0  }
0xf8: {  	[sflag:s5] =	ssyncadd.s32 $0xFFFFF000  }
0xf9: {  	_ =	swait.ge [sflag:s5], $0x1000  }
0xfa: {  	[sflag:s5] =	ssyncset.done $0x0  }
0xfb: {  	[sflag:s5] =	ssyncadd.s32 $0xFFFFF000  }
0xfc: {  	_ =	swait.ge [sflag:s5], $0x1000  }
0xfd: {  	[sflag:s5] =	ssyncset.done $0x0  }
0xfe: {  	[sflag:s5] =	ssyncadd.s32 $0xFFFFF000  }
0xff: {  	_ =	swait.ge [sflag:s5], $0x1000  }
0x100: {  	[sflag:s5] =	ssyncset.done $0x0  }
0x101: {  	[sflag:s5] =	ssyncadd.s32 $0xFFFFF000  }
0x102: {  	_ =	swait.ge [sflag:s5], $0x1000  }
0x103: {  	[sflag:s5] =	ssyncset.done $0x0  }
0x104: {  	[sflag:s5] =	ssyncadd.s32 $0xFFFFF000  }
0x105: {  	_ =	swait.ge [sflag:s5], $0x1000  }
0x106: {  	[sflag:s5] =	ssyncset.done $0x0  }
0x107: {  	[sflag:s5] =	ssyncadd.s32 $0xFFFFF000  }
0x108: {  	_ =	swait.ge [sflag:s5], $0x1000  }
0x109: {  	[sflag:s5] =	ssyncset.done $0x0  }
0x10a: {  	[sflag:s5] =	ssyncadd.s32 $0xFFFFF000  }
0x10b: {  	_ =	swait.ge [sflag:s5], $0x1000  }
0x10c: {  	[sflag:s5] =	ssyncset.done $0x0  }
0x10d: {  	[sflag:s5] =	ssyncadd.s32 $0xFFFFF000  }
0x10e: {  	_ =	swait.ge [sflag:s5], $0x1000  }
0x10f: {  	[sflag:s5] =	ssyncset.done $0x0  }
0x110: {  	[sflag:s5] =	ssyncadd.s32 $0xFFFFF000  }
0x111: {  	_ =	swait.ge [sflag:s5], $0x1000  }
0x112: {  	[sflag:s5] =	ssyncset.done $0x0  }
0x113: {  	[sflag:s5] =	ssyncadd.s32 $0xFFFFF000  }
0x114: {  	_ =	swait.ge [sflag:s5], $0x1000  }
0x115: {  	[sflag:s5] =	ssyncset.done $0x0  }
0x116: {  	[sflag:s5] =	ssyncadd.s32 $0xFFFFF000  }
0x117: {  	_ =	swait.ge [sflag:s5], $0x1000  }
0x118: {  	[sflag:s5] =	ssyncset.done $0x0  }
0x119: {  	[sflag:s5] =	ssyncadd.s32 $0xFFFFF000  }
0x11a: {  	_ =	swait.ge [sflag:s5], $0x1000  }
0x11b: {  	[sflag:s5] =	ssyncset.done $0x0  }
0x11c: {  	s30 =	rddreg [dreg:$0x4];
	[sflag:s5] =	ssyncadd.s32 $0xFFFFF000  }
0x11d: {  	[hbm4b:s30+s2] =	stream.linear.scatter [tilespmem:s4], [sflag:$0x2], $0x10000, $0x38;
	[tilespmem:$0x10800] =	vst v63  }
0x11e: {  	_ =	swait.ge [sflag:s3], $0x10000  }
0x11f: {  	[sflag:s3] =	ssyncset.done $0x0  }
0x120: {  	[sflag:s3] =	ssyncadd.s32 $0xFFFF0000  }
0x121: {  	_ =	sfence.sel $0x180000  }
0x122: {  	[bflag:$0x0] =	sbarrier.arrive $0xFFFF  }
0x123: {  	_ =	strace $0x90000047  }
0x124: {  	s31 =	stileid.u32;
	[bflag:$0x2] =	sbarrier.arrive $0xFFFF  }
0x125: {  	p0 =	sne.s32 s31, $0x0;
	s0 =	rddreg [dreg:$0x2]  }
0x126: {  	s0 =	sadd.s32 @!p0 $0x100000, s0  }
0x127: {  	[sflag:s0] =	ssyncadd.tile.s32 @!p0 $0x1;
	_ =	shalt  }
.Lfunc_end2:
_tile_overlayer_lowered:
.L_overlay_start_2:
0x128: {  	(tag) =	ssettag $0x2  }
0x129: {  	s0 =	rddreg [dreg:$0x0];
	s2 =	stileid.u32  }
0x12a: {  	s1 =	rddreg [dreg:$0x1];
	p0 =	sne.s32 s2, $0x0  }
0x12b: {  	s3 =	rddreg [dreg:$0x2];
	[bflag:$0x3] =	sbarrier.arrive $0xFFFF;
	s2 =	simm.s32 @!p0 $0x1C02  }
0x12c: {  	[timem:s3], [sflag:s2] =	dma.local @!p0 [hbm:s0], s1  }
0x12d: {  	s0 =	simm.s32 @!p0 $0x2  }
0x12e: {  	_ =	swait.ge @!p0 [sflag:s0], s1  }
0x12f: {  	s1 =	ssub.s32 @!p0 $0x0, s1;
	[sflag:s0] =	ssyncset.done @!p0 $0x0  }
0x130: {  	[sflag:s0] =	ssyncadd.s32 @!p0 s1  }
0x131: {  	[bflag:$0x3] =	sbarrier.arrive $0xFFFF  }
0x132: {  	_ =	shalt  }

</sc_bundles>
